<compile_context>
chip_gen: v7x
topology: tpu7x:2x2x1
jax: 0.10.2.dev20260603
libtpu: 0.0.44.dev20260713+nightly
codegen_flags: <defaults>
</compile_context>

<pallas_src>
import functools
import math

import jax
import jax.numpy as jnp
from jax import lax
from jax.experimental import pallas as pl
from jax.experimental.pallas import tpu as pltpu
from jax.experimental.pallas import tpu_sc as plsc

RBF_DIM = 16
RBF_DMAX = 15.0
NORM = 10.0


def _sigmoid(x):
    return 1.0 / (1.0 + jnp.exp(-x))


def _dot(a, b):
    return jnp.dot(a, b, preferred_element_type=jnp.float32)


def _edge_kernel(g1, g2, w0, w1, w2, whvm, whunit, pmat, wuvm, rmat,
                 b_out, wg, bg, out):
    S = 128
    V = 16
    g1v = g1[...]
    ps = g1v[:, S + 3 * V:S + 3 * V + 3]
    pd = g2[:, 0:3]
    xd = pd - ps
    d2 = jnp.sum(xd * xd, axis=1, keepdims=True)
    dist = jnp.sqrt(jnp.clip(d2, 1e-8))
    unit = xd / dist

    mu = (jnp.arange(RBF_DIM, dtype=jnp.int32).astype(jnp.float32)
          * (RBF_DMAX / (RBF_DIM - 1)))[None, :]
    sigma = RBF_DMAX / RBF_DIM
    rbf = jnp.exp(-(((dist - mu) / sigma) ** 2))

    coordf = g1v[:, S:S + 3 * V]
    vh = _dot(coordf, whvm[...]) + _dot(unit, whunit[...])
    sh = jnp.sqrt(jnp.clip(_dot(vh * vh, pmat[...]), 1e-8))

    lin = (_dot(g1v[:, :S], w0[...]) + _dot(rbf, w1[...])
           + _dot(sh, w2[...]) + b_out[...])
    feats = lin * _sigmoid(lin)
    gate = _sigmoid(_dot(feats, wg[...]) + bg[...])

    out[:, :S] = feats
    out[:, S:S + 3 * V] = _dot(gate, rmat[...]) * _dot(vh, wuvm[...])


def _node_kernel(agg0, agg1, sf, cf, w0, w1, whvm, pmat, wuvm, rmat, rtm,
                 b_out, wg, bg, g_msg, b_msg, g_upd, b_upd, out_s, out_v):
    S = 128
    V = 16
    agg = (agg0[...] + agg1[...]) * (1.0 / NORM)
    agg_s = agg[:, :S]
    mu = jnp.mean(agg_s, axis=1, keepdims=True)
    var = jnp.mean((agg_s - mu) ** 2, axis=1, keepdims=True)
    nf = (agg_s - mu) / jnp.sqrt(var + 1e-5) * g_msg[...] + b_msg[...]
    av = agg[:, S:S + 3 * V]
    rtv = rtm[...]
    nu = jnp.clip(_dot(av * av, rtv), 1e-8)
    vn = jnp.sqrt(jnp.mean(nu, axis=1, keepdims=True))

    s1 = sf[...] + nf
    v1 = cf[...] + av / vn

    vh = _dot(v1, whvm[...])
    sh = jnp.sqrt(jnp.clip(_dot(vh * vh, pmat[...]), 1e-8))
    lin = _dot(s1, w0[...]) + _dot(sh, w1[...]) + b_out[...]
    feats = lin * _sigmoid(lin)
    gate = _sigmoid(_dot(feats, wg[...]) + bg[...])
    uv = _dot(gate, rmat[...]) * _dot(vh, wuvm[...])

    s2 = s1 + feats
    v2 = v1 + uv
    mu2 = jnp.mean(s2, axis=1, keepdims=True)
    var2 = jnp.mean((s2 - mu2) ** 2, axis=1, keepdims=True)
    out_s[...] = (s2 - mu2) / jnp.sqrt(var2 + 1e-5) * g_upd[...] + b_upd[...]
    nu2 = jnp.clip(_dot(v2 * v2, rtv), 1e-8)
    vn2 = jnp.sqrt(jnp.mean(nu2, axis=1, keepdims=True))
    out_v[...] = v2 / vn2


def _sc_gather(tbl, posp, src, dst):
    N = tbl.shape[0]
    E = src.shape[0]
    D1 = tbl.shape[1]
    D2 = posp.shape[1]
    NW = 32
    EPW = E // NW
    CH = 128
    KFULL = EPW // CH
    TAIL = EPW - KFULL * CH

    mesh = plsc.VectorSubcoreMesh(core_axis_name="c", subcore_axis_name="s")

    @functools.partial(
        pl.kernel, mesh=mesh,
        compiler_params=pltpu.CompilerParams(use_tc_tiling_on_sc=False),
        out_type=[
            jax.ShapeDtypeStruct((E, D1), jnp.float32),
            jax.ShapeDtypeStruct((E, D2), jnp.float32),
        ],
        scratch_types=[
            pltpu.VMEM((EPW,), jnp.int32),
            pltpu.VMEM((EPW,), jnp.int32),
            pltpu.VMEM((2, CH, D1), jnp.float32),
            pltpu.VMEM((2, CH, D2), jnp.float32),
            pltpu.VMEM((TAIL, D1), jnp.float32),
            pltpu.VMEM((TAIL, D2), jnp.float32),
            pltpu.SemaphoreType.DMA,
            pltpu.SemaphoreType.DMA,
            pltpu.SemaphoreType.DMA,
            pltpu.SemaphoreType.DMA,
        ],
    )
    def gk(tbl_h, posp_h, src_h, dst_h, g1_h, g2_h,
           idxs_v, idxd_v, rows_v, prow_v, trow_v, tprow_v,
           sg0, sg1, sp0, sp1):
        wid = lax.axis_index("s") * 2 + lax.axis_index("c")
        base = pl.multiple_of(wid * EPW, 8)
        pltpu.sync_copy(src_h.at[pl.ds(base, EPW)], idxs_v)
        pltpu.sync_copy(dst_h.at[pl.ds(base, EPW)], idxd_v)
        sgs = [sg0, sg1]
        sps = [sp0, sp1]

        def body(i, carry):
            cps = []
            for b in range(2):
                k = i * 2 + b
                o = pl.multiple_of(k * CH, 8)
                cps.append(pltpu.async_copy(
                    tbl_h.at[idxs_v.at[pl.ds(o, CH)]], rows_v.at[b], sgs[b]))
                cps.append(pltpu.async_copy(
                    posp_h.at[idxd_v.at[pl.ds(o, CH)]], prow_v.at[b], sps[b]))
            for b in range(2):
                k = i * 2 + b
                oo = pl.multiple_of(base + k * CH, 8)
                cps[2 * b].wait()
                pltpu.sync_copy(rows_v.at[b], g1_h.at[pl.ds(oo, CH)])
                cps[2 * b + 1].wait()
                pltpu.sync_copy(prow_v.at[b], g2_h.at[pl.ds(oo, CH)])
            return carry

        lax.fori_loop(0, KFULL // 2, body, 0, unroll=False)

        ot = pl.multiple_of(KFULL * CH, 8)
        oot = pl.multiple_of(base + KFULL * CH, 8)
        pltpu.async_copy(tbl_h.at[idxs_v.at[pl.ds(ot, TAIL)]], trow_v, sg0).wait()
        pltpu.sync_copy(trow_v, g1_h.at[pl.ds(oot, TAIL)])
        pltpu.async_copy(posp_h.at[idxd_v.at[pl.ds(ot, TAIL)]], tprow_v, sp0).wait()
        pltpu.sync_copy(tprow_v, g2_h.at[pl.ds(oot, TAIL)])

    return gk(tbl, posp, src, dst)


def _sc_scatter(msg, dst, zinit):
    E, D = msg.shape
    NP = zinit.shape[0]
    NW = 32
    EPW = E // NW
    CH = 40
    KFULL = EPW // CH
    RPT = NP // 16

    mesh = plsc.VectorSubcoreMesh(core_axis_name="c", subcore_axis_name="s")

    @functools.partial(
        pl.kernel, mesh=mesh,
        compiler_params=pltpu.CompilerParams(use_tc_tiling_on_sc=False),
        out_type=jax.ShapeDtypeStruct((2, NP, D), jnp.float32),
        scratch_types=[
            pltpu.VMEM_SHARED((NP, D), jnp.float32),
            pltpu.VMEM((2, CH), jnp.int32),
            pltpu.VMEM((2, CH, D), jnp.float32),
            pltpu.SemaphoreType.DMA,
            pltpu.SemaphoreType.DMA,
        ],
    )
    def sk(msg_h, dst_h, zin_h, out_h,
           acc_s, idx_v, rows_v, s0, s1):
        cid = lax.axis_index("c")
        sid = lax.axis_index("s")
        wid = sid * 2 + cid
        base = pl.multiple_of(wid * EPW, 8)
        r0 = pl.multiple_of(sid * RPT, 8)

        pltpu.sync_copy(zin_h.at[pl.ds(r0, RPT)], acc_s.at[pl.ds(r0, RPT)])
        plsc.subcore_barrier()

        sems = [s0, s1]

        def body(i, carry):
            cps = []
            for b in range(2):
                k = i * 2 + b
                o = pl.multiple_of(base + k * CH, 8)
                cps.append(pltpu.async_copy(
                    dst_h.at[pl.ds(o, CH)], idx_v.at[b], sems[b]))
                cps.append(pltpu.async_copy(
                    msg_h.at[pl.ds(o, CH)], rows_v.at[b], sems[b]))
            for b in range(2):
                cps[2 * b].wait()
                cps[2 * b + 1].wait()
                pltpu.sync_copy(rows_v.at[b], acc_s.at[idx_v.at[b]], add=True)
            return carry

        lax.fori_loop(0, KFULL // 2, body, 0, unroll=False)

        plsc.subcore_barrier()
        pltpu.sync_copy(acc_s.at[pl.ds(r0, RPT)], out_h.at[cid, pl.ds(r0, RPT)])

    return sk(msg, dst, zinit)


import numpy as _np


def _block_weights(wh, wu, V, H):
    L = _np.zeros((3, 3 * V, V), _np.float32)
    R = _np.zeros((3, H, 96), _np.float32)
    pmat = _np.zeros((96, H), _np.float32)
    rmat = _np.zeros((V, 3 * V), _np.float32)
    for c in range(3):
        L[c, 3 * _np.arange(V) + c, _np.arange(V)] = 1.0
        R[c, _np.arange(H), 32 * c + _np.arange(H)] = 1.0
        pmat[32 * c + _np.arange(H), _np.arange(H)] = 1.0
        rmat[_np.arange(V), 3 * _np.arange(V) + c] = 1.0
    whvm = jnp.einsum('cav,vh,chb->ab', L, wh[:V], R)
    whunit = (jnp.einsum('h,chb->cb', wh[V], R) if wh.shape[0] > V else None)
    wuvm = jnp.einsum('chb,hu,cau->ba', R, wu, jnp.asarray(L))
    return (whvm, whunit, jnp.asarray(pmat), wuvm,
            jnp.asarray(rmat), jnp.asarray(rmat.T))


def kernel(scalar_feats, coord_feats, positions, edge_index, params):
    N, S = scalar_feats.shape
    V = coord_feats.shape[1]
    E = edge_index.shape[1]
    src = edge_index[0]
    dst = edge_index[1]

    coord_f = coord_feats.reshape(N, 3 * V)
    tbl = jnp.concatenate(
        [scalar_feats, coord_f, positions,
         jnp.zeros((N, 13), jnp.float32)], axis=1)
    posp = jnp.concatenate(
        [positions, jnp.zeros((N, 13), jnp.float32)], axis=1)

    g1, g2 = _sc_gather(tbl, posp, src, dst)

    pm = params['msg']
    w_out = pm['W_out']
    H1 = V + 1
    whvm_m, whunit_m, pmat_m, wuvm_m, rmat_m, _ = _block_weights(
        pm['Wh'], pm['Wu'], V, H1)
    TB = 2000
    msg = pl.pallas_call(
        _edge_kernel,
        grid=(E // TB,),
        in_specs=[
            pl.BlockSpec((TB, 192), lambda i: (i, 0)),
            pl.BlockSpec((TB, 16), lambda i: (i, 0)),
        ] + [pl.BlockSpec(s, lambda i: (0, 0)) for s in
             [(S, S), (RBF_DIM, S), (H1, S), (3 * V, 96), (3, 96),
              (96, H1), (96, 3 * V), (V, 3 * V), (1, S), (S, V), (1, V)]],
        out_specs=pl.BlockSpec((TB, S + 3 * V), lambda i: (i, 0)),
        out_shape=jax.ShapeDtypeStruct((E, S + 3 * V), jnp.float32),
    )(g1, g2,
      w_out[:S], w_out[S:S + RBF_DIM], w_out[S + RBF_DIM:],
      whvm_m, whunit_m, pmat_m, wuvm_m, rmat_m,
      pm['b_out'][None, :], pm['W_gate'], pm['b_gate'][None, :])

    NP = 16 * 632
    zinit = jnp.zeros((NP, S + 3 * V), jnp.float32)
    parts = _sc_scatter(msg, dst, zinit)
    agg0 = parts[0, :N]
    agg1 = parts[1, :N]

    pu = params['upd']
    wu_out = pu['W_out']
    whvm_u, _, pmat_u, wuvm_u, rmat_u, rtm_u = _block_weights(
        pu['Wh'], pu['Wu'], V, V)
    NB = 2000
    out_s, out_v = pl.pallas_call(
        _node_kernel,
        grid=(N // NB,),
        in_specs=[
            pl.BlockSpec((NB, S + 3 * V), lambda i: (i, 0)),
            pl.BlockSpec((NB, S + 3 * V), lambda i: (i, 0)),
            pl.BlockSpec((NB, S), lambda i: (i, 0)),
            pl.BlockSpec((NB, 3 * V), lambda i: (i, 0)),
        ] + [pl.BlockSpec(s, lambda i: (0, 0)) for s in
             [(S, S), (V, S), (3 * V, 96), (96, V), (96, 3 * V),
              (V, 3 * V), (3 * V, V), (1, S), (S, V), (1, V),
              (1, S), (1, S), (1, S), (1, S)]],
        out_specs=[
            pl.BlockSpec((NB, S), lambda i: (i, 0)),
            pl.BlockSpec((NB, 3 * V), lambda i: (i, 0)),
        ],
        out_shape=[
            jax.ShapeDtypeStruct((N, S), jnp.float32),
            jax.ShapeDtypeStruct((N, 3 * V), jnp.float32),
        ],
    )(agg0, agg1, scalar_feats, coord_f,
      wu_out[:S], wu_out[S:], whvm_u, pmat_u, wuvm_u, rmat_u, rtm_u,
      pu['b_out'][None, :], pu['W_gate'], pu['b_gate'][None, :],
      params['msg_ln']['gamma'][None, :], params['msg_ln']['beta'][None, :],
      params['upd_ln']['gamma'][None, :], params['upd_ln']['beta'][None, :])

    v2 = out_v.reshape(N, V, 3)
    return out_s, v2

# --- scband reference (transcript-rebuilt; emitter-appended) ---
"""Pipeline reference for scband-gvpmulti-edge-conv-2585570312764 (READ-ONLY COPY).

The authoritative reference and input builder live on the scoring server;
editing this copy changes nothing except your own understanding.
"""

import jax, jax.numpy as jnp
import numpy as np
import math

N = 10000
E = 320000
S = 128
V = 16
RBF_DIM = 16
RBF_DMAX = 15.0
NORM = 10.0


def _norm_no_nan(x, axis=-1, keepdims=False, eps=1e-8, sqrt=True):
    out = jnp.clip(jnp.sum(jnp.square(x), axis=axis, keepdims=keepdims), eps)
    return jnp.sqrt(out) if sqrt else out


def _rbf(D, D_min=0.0, D_max=RBF_DMAX, D_count=RBF_DIM):
    D_mu = jnp.linspace(D_min, D_max, D_count).reshape(1, -1)
    D_sigma = (D_max - D_min) / D_count
    return jnp.exp(-(((D[..., None] - D_mu) / D_sigma) ** 2))


def _silu(x):
    return x * jax.nn.sigmoid(x)


def gvp_apply(p, feats, vectors):
    Vh = jnp.einsum('bvc,vh->bhc', vectors, p['Wh'])
    Vu = jnp.einsum('bhc,hu->buc', Vh, p['Wu'])
    sh = _norm_no_nan(Vh, axis=-1)
    s = jnp.concatenate([feats, sh], axis=1)
    feats_out = _silu(s @ p['W_out'] + p['b_out'])
    gating = feats_out @ p['W_gate'] + p['b_gate']
    vectors_out = jax.nn.sigmoid(gating[..., None]) * Vu
    return feats_out, vectors_out


def gvp_layer_norm(p, feats, vectors):
    mu = jnp.mean(feats, axis=-1, keepdims=True)
    var = jnp.var(feats, axis=-1, keepdims=True)
    nf = (feats - mu) / jnp.sqrt(var + 1e-5) * p['gamma'] + p['beta']
    vn = _norm_no_nan(vectors, axis=-1, keepdims=True, sqrt=False)
    vn = jnp.sqrt(jnp.mean(vn, axis=-2, keepdims=True))
    return nf, vectors / vn


def _make_gvp_params(key, dvi, dvo, dfi, dfo):
    dh = max(dvi, dvo)
    k = jax.random.split(key, 6)
    wh_k = 1.0 / math.sqrt(dvi)
    wu_k = 1.0 / math.sqrt(dh)
    lin_k = 1.0 / math.sqrt(dh + dfi)
    gate_k = 1.0 / math.sqrt(dfo)
    return {
        'Wh': jax.random.uniform(k[0], (dvi, dh), minval=-wh_k, maxval=wh_k, dtype=jnp.float32),
        'Wu': jax.random.uniform(k[1], (dh, dvo), minval=-wu_k, maxval=wu_k, dtype=jnp.float32),
        'W_out': jax.random.uniform(k[2], (dh + dfi, dfo), minval=-lin_k, maxval=lin_k, dtype=jnp.float32),
        'b_out': jax.random.uniform(k[3], (dfo,), minval=-lin_k, maxval=lin_k, dtype=jnp.float32),
        'W_gate': jax.random.uniform(k[4], (dfo, dvo), minval=-gate_k, maxval=gate_k, dtype=jnp.float32),
        'b_gate': jax.random.uniform(k[5], (dvo,), minval=-gate_k, maxval=gate_k, dtype=jnp.float32),
    }


def setup_inputs(seed: int = 0):
    key = jax.random.key(seed)
    ks = jax.random.split(key, 8)
    scalar_feats = jax.random.normal(ks[0], (N, S), dtype=jnp.float32)
    coord_feats = jax.random.normal(ks[1], (N, V, 3), dtype=jnp.float32)
    positions = jax.random.normal(ks[2], (N, 3), dtype=jnp.float32) * 10.0
    edge_index = jax.random.randint(ks[3], (2, E), 0, N)
    params = {
        'msg': _make_gvp_params(ks[4], V + 1, V, S + RBF_DIM, S),
        'upd': _make_gvp_params(ks[5], V, V, S, S),
        'msg_ln': {'gamma': jnp.ones((S,), jnp.float32), 'beta': jnp.zeros((S,), jnp.float32)},
        'upd_ln': {'gamma': jnp.ones((S,), jnp.float32), 'beta': jnp.zeros((S,), jnp.float32)},
    }
    return {'scalar_feats': scalar_feats, 'coord_feats': coord_feats, 'positions': positions, 'edge_index': edge_index, 'params': params}


def reference(scalar_feats, coord_feats, positions, edge_index, params):
    src = edge_index[0]
    dst = edge_index[1]
    x_diff = positions[dst] - positions[src]
    dist = _norm_no_nan(x_diff, axis=-1)
    unit = x_diff / dist[..., None]
    vec_in = jnp.concatenate([coord_feats[src], unit[:, None, :]], axis=1)
    feat_in = jnp.concatenate([scalar_feats[src], _rbf(dist)], axis=1)
    msg_s, msg_v = gvp_apply(params['msg'], feat_in, vec_in)
    agg_s = jax.ops.segment_sum(msg_s, dst, num_segments=N) / NORM
    agg_v = jax.ops.segment_sum(msg_v, dst, num_segments=N) / NORM
    agg_s, agg_v = gvp_layer_norm(params['msg_ln'], agg_s, agg_v)
    s1 = scalar_feats + agg_s
    v1 = coord_feats + agg_v
    upd_s, upd_v = gvp_apply(params['upd'], s1, v1)
    s2, v2 = gvp_layer_norm(params['upd_ln'], s1 + upd_s, v1 + upd_v)
    return s2, v2

if __name__ == "__main__":
    import jax
    _d = setup_inputs()
    print(jax.jit(kernel)(*tuple(_d.values())))

</pallas_src>

<mosaic_0001>
#map = affine_map<(d0, d1) -> (0, 0)>
#map1 = affine_map<(d0, d1) -> (0)>
module attributes {stable_mosaic.version = 14 : i64} {
  func.func @gk(%arg0: i32, %arg1: i32, %arg2: memref<10000x192xf32, #tpu.memory_space<hbm>>, %arg3: memref<10000x16xf32, #tpu.memory_space<hbm>>, %arg4: memref<320000xi32, #tpu.memory_space<hbm>>, %arg5: memref<320000xi32, #tpu.memory_space<hbm>>, %arg6: memref<320000x192xf32, #tpu.memory_space<hbm>>, %arg7: memref<320000x16xf32, #tpu.memory_space<hbm>>, %arg8: memref<10000xi32, #tpu.memory_space<vmem>>, %arg9: memref<10000xi32, #tpu.memory_space<vmem>>, %arg10: memref<2x128x192xf32, #tpu.memory_space<vmem>>, %arg11: memref<2x128x16xf32, #tpu.memory_space<vmem>>, %arg12: memref<16x192xf32, #tpu.memory_space<vmem>>, %arg13: memref<16x16xf32, #tpu.memory_space<vmem>>, %arg14: memref<!tpu.dma_semaphore, #tpu.memory_space<semaphore_mem>>, %arg15: memref<!tpu.dma_semaphore, #tpu.memory_space<semaphore_mem>>, %arg16: memref<!tpu.dma_semaphore, #tpu.memory_space<semaphore_mem>>, %arg17: memref<!tpu.dma_semaphore, #tpu.memory_space<semaphore_mem>>) attributes {dimension_semantics = [#tpu.dimension_semantics<core_parallel>, #tpu.dimension_semantics<subcore_parallel>], iteration_bounds = array<i64: 2, 16>, scalar_prefetch = 0 : i64, scratch_operands = 10 : i64, tpu.core_type = #tpu.core_type<sc_vector_subcore>, window_params = [{transform_indices = #map}, {transform_indices = #map}, {transform_indices = #map1}, {transform_indices = #map1}, {transform_indices = #map}, {transform_indices = #map}]} {
    %mul3A = arith.constant 2 : i32
    %mul3A_0 = arith.muli %arg1, %mul3A : i32
    %add3A = arith.addi %mul3A_0, %arg0 : i32
    %mul3A_1 = arith.constant 10000 : i32
    %mul3A_2 = arith.muli %add3A, %mul3A_1 : i32
    %multiple_of3A = tpu.assume_multiple %mul3A_2, 8 : i32
    "tpu.region"() ({
      %run_scoped3A = tpu.sem_alloc : memref<!tpu.dma_semaphore, #tpu.memory_space<semaphore_mem>>
      %dma_start3A_27 = tpu.memref_slice %arg4[%multiple_of3A] : memref<320000xi32, #tpu.memory_space<hbm>> -> memref<10000xi32, #tpu.memory_space<hbm>>
      %dma_start3A_28 = tpu.memref_slice %arg4[%multiple_of3A] : memref<320000xi32, #tpu.memory_space<hbm>> -> memref<10000xi32, #tpu.memory_space<hbm>>
      tpu.enqueue_dma source(%dma_start3A_28 : memref<10000xi32, #tpu.memory_space<hbm>>) target(%arg8 : memref<10000xi32, #tpu.memory_space<vmem>>) target_semaphore(%run_scoped3A : memref<!tpu.dma_semaphore, #tpu.memory_space<semaphore_mem>>)
      %dma_wait3A_29 = tpu.memref_slice %arg4[%multiple_of3A] : memref<320000xi32, #tpu.memory_space<hbm>> -> memref<10000xi32, #tpu.memory_space<hbm>>
      %dma_wait3A_30 = tpu.memref_slice %arg4[%multiple_of3A] : memref<320000xi32, #tpu.memory_space<hbm>> -> memref<10000xi32, #tpu.memory_space<hbm>>
      tpu.wait_dma2 semaphore(%run_scoped3A : memref<!tpu.dma_semaphore, #tpu.memory_space<semaphore_mem>>) src(%dma_wait3A_30 : memref<10000xi32, #tpu.memory_space<hbm>>) dst(%arg8 : memref<10000xi32, #tpu.memory_space<vmem>>)
      tpu.yield
    }) : () -> ()
    "tpu.region"() ({
      %run_scoped3A = tpu.sem_alloc : memref<!tpu.dma_semaphore, #tpu.memory_space<semaphore_mem>>
      %dma_start3A_27 = tpu.memref_slice %arg5[%multiple_of3A] : memref<320000xi32, #tpu.memory_space<hbm>> -> memref<10000xi32, #tpu.memory_space<hbm>>
      %dma_start3A_28 = tpu.memref_slice %arg5[%multiple_of3A] : memref<320000xi32, #tpu.memory_space<hbm>> -> memref<10000xi32, #tpu.memory_space<hbm>>
      tpu.enqueue_dma source(%dma_start3A_28 : memref<10000xi32, #tpu.memory_space<hbm>>) target(%arg9 : memref<10000xi32, #tpu.memory_space<vmem>>) target_semaphore(%run_scoped3A : memref<!tpu.dma_semaphore, #tpu.memory_space<semaphore_mem>>)
      %dma_wait3A_29 = tpu.memref_slice %arg5[%multiple_of3A] : memref<320000xi32, #tpu.memory_space<hbm>> -> memref<10000xi32, #tpu.memory_space<hbm>>
      %dma_wait3A_30 = tpu.memref_slice %arg5[%multiple_of3A] : memref<320000xi32, #tpu.memory_space<hbm>> -> memref<10000xi32, #tpu.memory_space<hbm>>
      tpu.wait_dma2 semaphore(%run_scoped3A : memref<!tpu.dma_semaphore, #tpu.memory_space<semaphore_mem>>) src(%dma_wait3A_30 : memref<10000xi32, #tpu.memory_space<hbm>>) dst(%arg9 : memref<10000xi32, #tpu.memory_space<vmem>>)
      tpu.yield
    }) : () -> ()
    %scan3A = arith.constant 0 : i32
    %scan3A_3 = arith.constant 0 : i32
    %scan3A_4 = arith.constant 39 : i32
    %scan3A_5 = arith.addi %scan3A_3, %scan3A_4 : i32
    %scan3A_6 = arith.constant 1 : i32
    scf.for %scan3A_27 = %scan3A_3 to %scan3A_5 step %scan3A_6  : i32 {
      %mul3A_28 = arith.constant 2 : i32
      %mul3A_29 = arith.muli %scan3A_27, %mul3A_28 : i32
      %add3A_30 = arith.constant 0 : i32
      %add3A_31 = arith.addi %mul3A_29, %add3A_30 : i32
      %mul3A_32 = arith.constant 128 : i32
      %mul3A_33 = arith.muli %add3A_31, %mul3A_32 : i32
      %multiple_of3A_34 = tpu.assume_multiple %mul3A_33, 8 : i32
      %dma_start3A_35 = arith.constant 0 : i32
      %dma_start3A_36 = arith.constant 0 : i32
      %dma_start3A_37 = arith.constant 0 : i32
      %dma_start3A_38 = tpu.memref_slice %arg10[%dma_start3A_35, %dma_start3A_36, %dma_start3A_37] : memref<2x128x192xf32, #tpu.memory_space<vmem>> -> memref<1x128x192xf32, #tpu.memory_space<vmem>>
      %dma_start3A_39 = tpu.memref_squeeze %dma_start3A_38 : memref<1x128x192xf32, #tpu.memory_space<vmem>> -> memref<128x192xf32, #tpu.memory_space<vmem>>
      %dma_start3A_40 = tpu.memref_slice %arg8[%multiple_of3A_34] : memref<10000xi32, #tpu.memory_space<vmem>> -> memref<128xi32, #tpu.memory_space<vmem>>
      %dma_start3A_41 = arith.constant 0 : i32
      %dma_start3A_42 = arith.constant 0 : i32
      %dma_start3A_43 = tpu.memref_slice %arg2[%dma_start3A_41, %dma_start3A_42] : memref<10000x192xf32, #tpu.memory_space<hbm>> -> memref<10000x192xf32, #tpu.memory_space<hbm>>
      tpu.enqueue_indirect_dma source(%dma_start3A_43 : memref<10000x192xf32, #tpu.memory_space<hbm>>) target(%dma_start3A_39 : memref<128x192xf32, #tpu.memory_space<vmem>>) offsets(%dma_start3A_40 : memref<128xi32, #tpu.memory_space<vmem>>) semaphore(%arg14 : memref<!tpu.dma_semaphore, #tpu.memory_space<semaphore_mem>>)
      %dma_start3A_44 = arith.constant 0 : i32
      %dma_start3A_45 = arith.constant 0 : i32
      %dma_start3A_46 = arith.constant 0 : i32
      %dma_start3A_47 = tpu.memref_slice %arg11[%dma_start3A_44, %dma_start3A_45, %dma_start3A_46] : memref<2x128x16xf32, #tpu.memory_space<vmem>> -> memref<1x128x16xf32, #tpu.memory_space<vmem>>
      %dma_start3A_48 = tpu.memref_squeeze %dma_start3A_47 : memref<1x128x16xf32, #tpu.memory_space<vmem>> -> memref<128x16xf32, #tpu.memory_space<vmem>>
      %dma_start3A_49 = tpu.memref_slice %arg9[%multiple_of3A_34] : memref<10000xi32, #tpu.memory_space<vmem>> -> memref<128xi32, #tpu.memory_space<vmem>>
      %dma_start3A_50 = arith.constant 0 : i32
      %dma_start3A_51 = arith.constant 0 : i32
      %dma_start3A_52 = tpu.memref_slice %arg3[%dma_start3A_50, %dma_start3A_51] : memref<10000x16xf32, #tpu.memory_space<hbm>> -> memref<10000x16xf32, #tpu.memory_space<hbm>>
      tpu.enqueue_indirect_dma source(%dma_start3A_52 : memref<10000x16xf32, #tpu.memory_space<hbm>>) target(%dma_start3A_48 : memref<128x16xf32, #tpu.memory_space<vmem>>) offsets(%dma_start3A_49 : memref<128xi32, #tpu.memory_space<vmem>>) semaphore(%arg16 : memref<!tpu.dma_semaphore, #tpu.memory_space<semaphore_mem>>)
      %mul3A_53 = arith.constant 2 : i32
      %mul3A_54 = arith.muli %scan3A_27, %mul3A_53 : i32
      %add3A_55 = arith.constant 1 : i32
      %add3A_56 = arith.addi %mul3A_54, %add3A_55 : i32
      %mul3A_57 = arith.constant 128 : i32
      %mul3A_58 = arith.muli %add3A_56, %mul3A_57 : i32
      %multiple_of3A_59 = tpu.assume_multiple %mul3A_58, 8 : i32
      %dma_start3A_60 = arith.constant 1 : i32
      %dma_start3A_61 = arith.constant 0 : i32
      %dma_start3A_62 = arith.constant 0 : i32
      %dma_start3A_63 = tpu.memref_slice %arg10[%dma_start3A_60, %dma_start3A_61, %dma_start3A_62] : memref<2x128x192xf32, #tpu.memory_space<vmem>> -> memref<1x128x192xf32, #tpu.memory_space<vmem>>
      %dma_start3A_64 = tpu.memref_squeeze %dma_start3A_63 : memref<1x128x192xf32, #tpu.memory_space<vmem>> -> memref<128x192xf32, #tpu.memory_space<vmem>>
      %dma_start3A_65 = tpu.memref_slice %arg8[%multiple_of3A_59] : memref<10000xi32, #tpu.memory_space<vmem>> -> memref<128xi32, #tpu.memory_space<vmem>>
      %dma_start3A_66 = arith.constant 0 : i32
      %dma_start3A_67 = arith.constant 0 : i32
      %dma_start3A_68 = tpu.memref_slice %arg2[%dma_start3A_66, %dma_start3A_67] : memref<10000x192xf32, #tpu.memory_space<hbm>> -> memref<10000x192xf32, #tpu.memory_space<hbm>>
      tpu.enqueue_indirect_dma source(%dma_start3A_68 : memref<10000x192xf32, #tpu.memory_space<hbm>>) target(%dma_start3A_64 : memref<128x192xf32, #tpu.memory_space<vmem>>) offsets(%dma_start3A_65 : memref<128xi32, #tpu.memory_space<vmem>>) semaphore(%arg15 : memref<!tpu.dma_semaphore, #tpu.memory_space<semaphore_mem>>)
      %dma_start3A_69 = arith.constant 1 : i32
      %dma_start3A_70 = arith.constant 0 : i32
      %dma_start3A_71 = arith.constant 0 : i32
      %dma_start3A_72 = tpu.memref_slice %arg11[%dma_start3A_69, %dma_start3A_70, %dma_start3A_71] : memref<2x128x16xf32, #tpu.memory_space<vmem>> -> memref<1x128x16xf32, #tpu.memory_space<vmem>>
      %dma_start3A_73 = tpu.memref_squeeze %dma_start3A_72 : memref<1x128x16xf32, #tpu.memory_space<vmem>> -> memref<128x16xf32, #tpu.memory_space<vmem>>
      %dma_start3A_74 = tpu.memref_slice %arg9[%multiple_of3A_59] : memref<10000xi32, #tpu.memory_space<vmem>> -> memref<128xi32, #tpu.memory_space<vmem>>
      %dma_start3A_75 = arith.constant 0 : i32
      %dma_start3A_76 = arith.constant 0 : i32
      %dma_start3A_77 = tpu.memref_slice %arg3[%dma_start3A_75, %dma_start3A_76] : memref<10000x16xf32, #tpu.memory_space<hbm>> -> memref<10000x16xf32, #tpu.memory_space<hbm>>
      tpu.enqueue_indirect_dma source(%dma_start3A_77 : memref<10000x16xf32, #tpu.memory_space<hbm>>) target(%dma_start3A_73 : memref<128x16xf32, #tpu.memory_space<vmem>>) offsets(%dma_start3A_74 : memref<128xi32, #tpu.memory_space<vmem>>) semaphore(%arg17 : memref<!tpu.dma_semaphore, #tpu.memory_space<semaphore_mem>>)
      %mul3A_78 = arith.constant 2 : i32
      %mul3A_79 = arith.muli %scan3A_27, %mul3A_78 : i32
      %add3A_80 = arith.constant 0 : i32
      %add3A_81 = arith.addi %mul3A_79, %add3A_80 : i32
      %mul3A_82 = arith.constant 128 : i32
      %mul3A_83 = arith.muli %add3A_81, %mul3A_82 : i32
      %add3A_84 = arith.addi %multiple_of3A, %mul3A_83 : i32
      %multiple_of3A_85 = tpu.assume_multiple %add3A_84, 8 : i32
      %dma_wait3A_86 = arith.constant 0 : i32
      %dma_wait3A_87 = arith.constant 0 : i32
      %dma_wait3A_88 = arith.constant 0 : i32
      %dma_wait3A_89 = tpu.memref_slice %arg10[%dma_wait3A_86, %dma_wait3A_87, %dma_wait3A_88] : memref<2x128x192xf32, #tpu.memory_space<vmem>> -> memref<1x128x192xf32, #tpu.memory_space<vmem>>
      %dma_wait3A_90 = tpu.memref_squeeze %dma_wait3A_89 : memref<1x128x192xf32, #tpu.memory_space<vmem>> -> memref<128x192xf32, #tpu.memory_space<vmem>>
      %dma_wait3A_91 = tpu.memref_slice %arg8[%multiple_of3A_34] : memref<10000xi32, #tpu.memory_space<vmem>> -> memref<128xi32, #tpu.memory_space<vmem>>
      %dma_wait3A_92 = arith.constant 0 : i32
      %dma_wait3A_93 = arith.constant 0 : i32
      %dma_wait3A_94 = tpu.memref_slice %arg2[%dma_wait3A_92, %dma_wait3A_93] : memref<10000x192xf32, #tpu.memory_space<hbm>> -> memref<10000x192xf32, #tpu.memory_space<hbm>>
      tpu.wait_indirect_dma semaphore(%arg14 : memref<!tpu.dma_semaphore, #tpu.memory_space<semaphore_mem>>) src(%dma_wait3A_94 : memref<10000x192xf32, #tpu.memory_space<hbm>>) dst(%dma_wait3A_90 : memref<128x192xf32, #tpu.memory_space<vmem>>)
      %run_scoped3A = arith.constant 0 : i32
      "tpu.region"() ({
        %run_scoped3A_133 = tpu.sem_alloc : memref<!tpu.dma_semaphore, #tpu.memory_space<semaphore_mem>>
        %dma_start3A_134 = arith.constant 0 : i32
        %dma_start3A_135 = arith.constant 0 : i32
        %dma_start3A_136 = tpu.memref_slice %arg10[%run_scoped3A, %dma_start3A_134, %dma_start3A_135] : memref<2x128x192xf32, #tpu.memory_space<vmem>> -> memref<1x128x192xf32, #tpu.memory_space<vmem>>
        %dma_start3A_137 = tpu.memref_squeeze %dma_start3A_136 : memref<1x128x192xf32, #tpu.memory_space<vmem>> -> memref<128x192xf32, #tpu.memory_space<vmem>>
        %dma_start3A_138 = arith.constant 0 : i32
        %dma_start3A_139 = tpu.memref_slice %arg6[%multiple_of3A_85, %dma_start3A_138] : memref<320000x192xf32, #tpu.memory_space<hbm>> -> memref<128x192xf32, #tpu.memory_space<hbm>>
        %dma_start3A_140 = arith.constant 0 : i32
        %dma_start3A_141 = tpu.memref_slice %arg6[%multiple_of3A_85, %dma_start3A_140] : memref<320000x192xf32, #tpu.memory_space<hbm>> -> memref<128x192xf32, #tpu.memory_space<hbm>>
        %dma_start3A_142 = arith.constant 0 : i32
        %dma_start3A_143 = arith.constant 0 : i32
        %dma_start3A_144 = tpu.memref_slice %arg10[%run_scoped3A, %dma_start3A_142, %dma_start3A_143] : memref<2x128x192xf32, #tpu.memory_space<vmem>> -> memref<1x128x192xf32, #tpu.memory_space<vmem>>
        %dma_start3A_145 = tpu.memref_squeeze %dma_start3A_144 : memref<1x128x192xf32, #tpu.memory_space<vmem>> -> memref<128x192xf32, #tpu.memory_space<vmem>>
        tpu.enqueue_dma source(%dma_start3A_145 : memref<128x192xf32, #tpu.memory_space<vmem>>) target(%dma_start3A_141 : memref<128x192xf32, #tpu.memory_space<hbm>>) target_semaphore(%run_scoped3A_133 : memref<!tpu.dma_semaphore, #tpu.memory_space<semaphore_mem>>)
        %dma_wait3A_146 = arith.constant 0 : i32
        %dma_wait3A_147 = arith.constant 0 : i32
        %dma_wait3A_148 = tpu.memref_slice %arg10[%run_scoped3A, %dma_wait3A_146, %dma_wait3A_147] : memref<2x128x192xf32, #tpu.memory_space<vmem>> -> memref<1x128x192xf32, #tpu.memory_space<vmem>>
        %dma_wait3A_149 = tpu.memref_squeeze %dma_wait3A_148 : memref<1x128x192xf32, #tpu.memory_space<vmem>> -> memref<128x192xf32, #tpu.memory_space<vmem>>
        %dma_wait3A_150 = arith.constant 0 : i32
        %dma_wait3A_151 = tpu.memref_slice %arg6[%multiple_of3A_85, %dma_wait3A_150] : memref<320000x192xf32, #tpu.memory_space<hbm>> -> memref<128x192xf32, #tpu.memory_space<hbm>>
        %dma_wait3A_152 = arith.constant 0 : i32
        %dma_wait3A_153 = tpu.memref_slice %arg6[%multiple_of3A_85, %dma_wait3A_152] : memref<320000x192xf32, #tpu.memory_space<hbm>> -> memref<128x192xf32, #tpu.memory_space<hbm>>
        %dma_wait3A_154 = arith.constant 0 : i32
        %dma_wait3A_155 = arith.constant 0 : i32
        %dma_wait3A_156 = tpu.memref_slice %arg10[%run_scoped3A, %dma_wait3A_154, %dma_wait3A_155] : memref<2x128x192xf32, #tpu.memory_space<vmem>> -> memref<1x128x192xf32, #tpu.memory_space<vmem>>
        %dma_wait3A_157 = tpu.memref_squeeze %dma_wait3A_156 : memref<1x128x192xf32, #tpu.memory_space<vmem>> -> memref<128x192xf32, #tpu.memory_space<vmem>>
        tpu.wait_dma2 semaphore(%run_scoped3A_133 : memref<!tpu.dma_semaphore, #tpu.memory_space<semaphore_mem>>) src(%dma_wait3A_157 : memref<128x192xf32, #tpu.memory_space<vmem>>) dst(%dma_wait3A_153 : memref<128x192xf32, #tpu.memory_space<hbm>>)
        tpu.yield
      }) : () -> ()
      %dma_wait3A_95 = arith.constant 0 : i32
      %dma_wait3A_96 = arith.constant 0 : i32
      %dma_wait3A_97 = arith.constant 0 : i32
      %dma_wait3A_98 = tpu.memref_slice %arg11[%dma_wait3A_95, %dma_wait3A_96, %dma_wait3A_97] : memref<2x128x16xf32, #tpu.memory_space<vmem>> -> memref<1x128x16xf32, #tpu.memory_space<vmem>>
      %dma_wait3A_99 = tpu.memref_squeeze %dma_wait3A_98 : memref<1x128x16xf32, #tpu.memory_space<vmem>> -> memref<128x16xf32, #tpu.memory_space<vmem>>
      %dma_wait3A_100 = tpu.memref_slice %arg9[%multiple_of3A_34] : memref<10000xi32, #tpu.memory_space<vmem>> -> memref<128xi32, #tpu.memory_space<vmem>>
      %dma_wait3A_101 = arith.constant 0 : i32
      %dma_wait3A_102 = arith.constant 0 : i32
      %dma_wait3A_103 = tpu.memref_slice %arg3[%dma_wait3A_101, %dma_wait3A_102] : memref<10000x16xf32, #tpu.memory_space<hbm>> -> memref<10000x16xf32, #tpu.memory_space<hbm>>
      tpu.wait_indirect_dma semaphore(%arg16 : memref<!tpu.dma_semaphore, #tpu.memory_space<semaphore_mem>>) src(%dma_wait3A_103 : memref<10000x16xf32, #tpu.memory_space<hbm>>) dst(%dma_wait3A_99 : memref<128x16xf32, #tpu.memory_space<vmem>>)
      %run_scoped3A_104 = arith.constant 0 : i32
      "tpu.region"() ({
        %run_scoped3A_133 = tpu.sem_alloc : memref<!tpu.dma_semaphore, #tpu.memory_space<semaphore_mem>>
        %dma_start3A_134 = arith.constant 0 : i32
        %dma_start3A_135 = arith.constant 0 : i32
        %dma_start3A_136 = tpu.memref_slice %arg11[%run_scoped3A_104, %dma_start3A_134, %dma_start3A_135] : memref<2x128x16xf32, #tpu.memory_space<vmem>> -> memref<1x128x16xf32, #tpu.memory_space<vmem>>
        %dma_start3A_137 = tpu.memref_squeeze %dma_start3A_136 : memref<1x128x16xf32, #tpu.memory_space<vmem>> -> memref<128x16xf32, #tpu.memory_space<vmem>>
        %dma_start3A_138 = arith.constant 0 : i32
        %dma_start3A_139 = tpu.memref_slice %arg7[%multiple_of3A_85, %dma_start3A_138] : memref<320000x16xf32, #tpu.memory_space<hbm>> -> memref<128x16xf32, #tpu.memory_space<hbm>>
        %dma_start3A_140 = arith.constant 0 : i32
        %dma_start3A_141 = tpu.memref_slice %arg7[%multiple_of3A_85, %dma_start3A_140] : memref<320000x16xf32, #tpu.memory_space<hbm>> -> memref<128x16xf32, #tpu.memory_space<hbm>>
        %dma_start3A_142 = arith.constant 0 : i32
        %dma_start3A_143 = arith.constant 0 : i32
        %dma_start3A_144 = tpu.memref_slice %arg11[%run_scoped3A_104, %dma_start3A_142, %dma_start3A_143] : memref<2x128x16xf32, #tpu.memory_space<vmem>> -> memref<1x128x16xf32, #tpu.memory_space<vmem>>
        %dma_start3A_145 = tpu.memref_squeeze %dma_start3A_144 : memref<1x128x16xf32, #tpu.memory_space<vmem>> -> memref<128x16xf32, #tpu.memory_space<vmem>>
        tpu.enqueue_dma source(%dma_start3A_145 : memref<128x16xf32, #tpu.memory_space<vmem>>) target(%dma_start3A_141 : memref<128x16xf32, #tpu.memory_space<hbm>>) target_semaphore(%run_scoped3A_133 : memref<!tpu.dma_semaphore, #tpu.memory_space<semaphore_mem>>)
        %dma_wait3A_146 = arith.constant 0 : i32
        %dma_wait3A_147 = arith.constant 0 : i32
        %dma_wait3A_148 = tpu.memref_slice %arg11[%run_scoped3A_104, %dma_wait3A_146, %dma_wait3A_147] : memref<2x128x16xf32, #tpu.memory_space<vmem>> -> memref<1x128x16xf32, #tpu.memory_space<vmem>>
        %dma_wait3A_149 = tpu.memref_squeeze %dma_wait3A_148 : memref<1x128x16xf32, #tpu.memory_space<vmem>> -> memref<128x16xf32, #tpu.memory_space<vmem>>
        %dma_wait3A_150 = arith.constant 0 : i32
        %dma_wait3A_151 = tpu.memref_slice %arg7[%multiple_of3A_85, %dma_wait3A_150] : memref<320000x16xf32, #tpu.memory_space<hbm>> -> memref<128x16xf32, #tpu.memory_space<hbm>>
        %dma_wait3A_152 = arith.constant 0 : i32
        %dma_wait3A_153 = tpu.memref_slice %arg7[%multiple_of3A_85, %dma_wait3A_152] : memref<320000x16xf32, #tpu.memory_space<hbm>> -> memref<128x16xf32, #tpu.memory_space<hbm>>
        %dma_wait3A_154 = arith.constant 0 : i32
        %dma_wait3A_155 = arith.constant 0 : i32
        %dma_wait3A_156 = tpu.memref_slice %arg11[%run_scoped3A_104, %dma_wait3A_154, %dma_wait3A_155] : memref<2x128x16xf32, #tpu.memory_space<vmem>> -> memref<1x128x16xf32, #tpu.memory_space<vmem>>
        %dma_wait3A_157 = tpu.memref_squeeze %dma_wait3A_156 : memref<1x128x16xf32, #tpu.memory_space<vmem>> -> memref<128x16xf32, #tpu.memory_space<vmem>>
        tpu.wait_dma2 semaphore(%run_scoped3A_133 : memref<!tpu.dma_semaphore, #tpu.memory_space<semaphore_mem>>) src(%dma_wait3A_157 : memref<128x16xf32, #tpu.memory_space<vmem>>) dst(%dma_wait3A_153 : memref<128x16xf32, #tpu.memory_space<hbm>>)
        tpu.yield
      }) : () -> ()
      %mul3A_105 = arith.constant 2 : i32
      %mul3A_106 = arith.muli %scan3A_27, %mul3A_105 : i32
      %add3A_107 = arith.constant 1 : i32
      %add3A_108 = arith.addi %mul3A_106, %add3A_107 : i32
      %mul3A_109 = arith.constant 128 : i32
      %mul3A_110 = arith.muli %add3A_108, %mul3A_109 : i32
      %add3A_111 = arith.addi %multiple_of3A, %mul3A_110 : i32
      %multiple_of3A_112 = tpu.assume_multiple %add3A_111, 8 : i32
      %dma_wait3A_113 = arith.constant 1 : i32
      %dma_wait3A_114 = arith.constant 0 : i32
      %dma_wait3A_115 = arith.constant 0 : i32
      %dma_wait3A_116 = tpu.memref_slice %arg10[%dma_wait3A_113, %dma_wait3A_114, %dma_wait3A_115] : memref<2x128x192xf32, #tpu.memory_space<vmem>> -> memref<1x128x192xf32, #tpu.memory_space<vmem>>
      %dma_wait3A_117 = tpu.memref_squeeze %dma_wait3A_116 : memref<1x128x192xf32, #tpu.memory_space<vmem>> -> memref<128x192xf32, #tpu.memory_space<vmem>>
      %dma_wait3A_118 = tpu.memref_slice %arg8[%multiple_of3A_59] : memref<10000xi32, #tpu.memory_space<vmem>> -> memref<128xi32, #tpu.memory_space<vmem>>
      %dma_wait3A_119 = arith.constant 0 : i32
      %dma_wait3A_120 = arith.constant 0 : i32
      %dma_wait3A_121 = tpu.memref_slice %arg2[%dma_wait3A_119, %dma_wait3A_120] : memref<10000x192xf32, #tpu.memory_space<hbm>> -> memref<10000x192xf32, #tpu.memory_space<hbm>>
      tpu.wait_indirect_dma semaphore(%arg15 : memref<!tpu.dma_semaphore, #tpu.memory_space<semaphore_mem>>) src(%dma_wait3A_121 : memref<10000x192xf32, #tpu.memory_space<hbm>>) dst(%dma_wait3A_117 : memref<128x192xf32, #tpu.memory_space<vmem>>)
      %run_scoped3A_122 = arith.constant 1 : i32
      "tpu.region"() ({
        %run_scoped3A_133 = tpu.sem_alloc : memref<!tpu.dma_semaphore, #tpu.memory_space<semaphore_mem>>
        %dma_start3A_134 = arith.constant 0 : i32
        %dma_start3A_135 = arith.constant 0 : i32
        %dma_start3A_136 = tpu.memref_slice %arg10[%run_scoped3A_122, %dma_start3A_134, %dma_start3A_135] : memref<2x128x192xf32, #tpu.memory_space<vmem>> -> memref<1x128x192xf32, #tpu.memory_space<vmem>>
        %dma_start3A_137 = tpu.memref_squeeze %dma_start3A_136 : memref<1x128x192xf32, #tpu.memory_space<vmem>> -> memref<128x192xf32, #tpu.memory_space<vmem>>
        %dma_start3A_138 = arith.constant 0 : i32
        %dma_start3A_139 = tpu.memref_slice %arg6[%multiple_of3A_112, %dma_start3A_138] : memref<320000x192xf32, #tpu.memory_space<hbm>> -> memref<128x192xf32, #tpu.memory_space<hbm>>
        %dma_start3A_140 = arith.constant 0 : i32
        %dma_start3A_141 = tpu.memref_slice %arg6[%multiple_of3A_112, %dma_start3A_140] : memref<320000x192xf32, #tpu.memory_space<hbm>> -> memref<128x192xf32, #tpu.memory_space<hbm>>
        %dma_start3A_142 = arith.constant 0 : i32
        %dma_start3A_143 = arith.constant 0 : i32
        %dma_start3A_144 = tpu.memref_slice %arg10[%run_scoped3A_122, %dma_start3A_142, %dma_start3A_143] : memref<2x128x192xf32, #tpu.memory_space<vmem>> -> memref<1x128x192xf32, #tpu.memory_space<vmem>>
        %dma_start3A_145 = tpu.memref_squeeze %dma_start3A_144 : memref<1x128x192xf32, #tpu.memory_space<vmem>> -> memref<128x192xf32, #tpu.memory_space<vmem>>
        tpu.enqueue_dma source(%dma_start3A_145 : memref<128x192xf32, #tpu.memory_space<vmem>>) target(%dma_start3A_141 : memref<128x192xf32, #tpu.memory_space<hbm>>) target_semaphore(%run_scoped3A_133 : memref<!tpu.dma_semaphore, #tpu.memory_space<semaphore_mem>>)
        %dma_wait3A_146 = arith.constant 0 : i32
        %dma_wait3A_147 = arith.constant 0 : i32
        %dma_wait3A_148 = tpu.memref_slice %arg10[%run_scoped3A_122, %dma_wait3A_146, %dma_wait3A_147] : memref<2x128x192xf32, #tpu.memory_space<vmem>> -> memref<1x128x192xf32, #tpu.memory_space<vmem>>
        %dma_wait3A_149 = tpu.memref_squeeze %dma_wait3A_148 : memref<1x128x192xf32, #tpu.memory_space<vmem>> -> memref<128x192xf32, #tpu.memory_space<vmem>>
        %dma_wait3A_150 = arith.constant 0 : i32
        %dma_wait3A_151 = tpu.memref_slice %arg6[%multiple_of3A_112, %dma_wait3A_150] : memref<320000x192xf32, #tpu.memory_space<hbm>> -> memref<128x192xf32, #tpu.memory_space<hbm>>
        %dma_wait3A_152 = arith.constant 0 : i32
        %dma_wait3A_153 = tpu.memref_slice %arg6[%multiple_of3A_112, %dma_wait3A_152] : memref<320000x192xf32, #tpu.memory_space<hbm>> -> memref<128x192xf32, #tpu.memory_space<hbm>>
        %dma_wait3A_154 = arith.constant 0 : i32
        %dma_wait3A_155 = arith.constant 0 : i32
        %dma_wait3A_156 = tpu.memref_slice %arg10[%run_scoped3A_122, %dma_wait3A_154, %dma_wait3A_155] : memref<2x128x192xf32, #tpu.memory_space<vmem>> -> memref<1x128x192xf32, #tpu.memory_space<vmem>>
        %dma_wait3A_157 = tpu.memref_squeeze %dma_wait3A_156 : memref<1x128x192xf32, #tpu.memory_space<vmem>> -> memref<128x192xf32, #tpu.memory_space<vmem>>
        tpu.wait_dma2 semaphore(%run_scoped3A_133 : memref<!tpu.dma_semaphore, #tpu.memory_space<semaphore_mem>>) src(%dma_wait3A_157 : memref<128x192xf32, #tpu.memory_space<vmem>>) dst(%dma_wait3A_153 : memref<128x192xf32, #tpu.memory_space<hbm>>)
        tpu.yield
      }) : () -> ()
      %dma_wait3A_123 = arith.constant 1 : i32
      %dma_wait3A_124 = arith.constant 0 : i32
      %dma_wait3A_125 = arith.constant 0 : i32
      %dma_wait3A_126 = tpu.memref_slice %arg11[%dma_wait3A_123, %dma_wait3A_124, %dma_wait3A_125] : memref<2x128x16xf32, #tpu.memory_space<vmem>> -> memref<1x128x16xf32, #tpu.memory_space<vmem>>
      %dma_wait3A_127 = tpu.memref_squeeze %dma_wait3A_126 : memref<1x128x16xf32, #tpu.memory_space<vmem>> -> memref<128x16xf32, #tpu.memory_space<vmem>>
      %dma_wait3A_128 = tpu.memref_slice %arg9[%multiple_of3A_59] : memref<10000xi32, #tpu.memory_space<vmem>> -> memref<128xi32, #tpu.memory_space<vmem>>
      %dma_wait3A_129 = arith.constant 0 : i32
      %dma_wait3A_130 = arith.constant 0 : i32
      %dma_wait3A_131 = tpu.memref_slice %arg3[%dma_wait3A_129, %dma_wait3A_130] : memref<10000x16xf32, #tpu.memory_space<hbm>> -> memref<10000x16xf32, #tpu.memory_space<hbm>>
      tpu.wait_indirect_dma semaphore(%arg17 : memref<!tpu.dma_semaphore, #tpu.memory_space<semaphore_mem>>) src(%dma_wait3A_131 : memref<10000x16xf32, #tpu.memory_space<hbm>>) dst(%dma_wait3A_127 : memref<128x16xf32, #tpu.memory_space<vmem>>)
      %run_scoped3A_132 = arith.constant 1 : i32
      "tpu.region"() ({
        %run_scoped3A_133 = tpu.sem_alloc : memref<!tpu.dma_semaphore, #tpu.memory_space<semaphore_mem>>
        %dma_start3A_134 = arith.constant 0 : i32
        %dma_start3A_135 = arith.constant 0 : i32
        %dma_start3A_136 = tpu.memref_slice %arg11[%run_scoped3A_132, %dma_start3A_134, %dma_start3A_135] : memref<2x128x16xf32, #tpu.memory_space<vmem>> -> memref<1x128x16xf32, #tpu.memory_space<vmem>>
        %dma_start3A_137 = tpu.memref_squeeze %dma_start3A_136 : memref<1x128x16xf32, #tpu.memory_space<vmem>> -> memref<128x16xf32, #tpu.memory_space<vmem>>
        %dma_start3A_138 = arith.constant 0 : i32
        %dma_start3A_139 = tpu.memref_slice %arg7[%multiple_of3A_112, %dma_start3A_138] : memref<320000x16xf32, #tpu.memory_space<hbm>> -> memref<128x16xf32, #tpu.memory_space<hbm>>
        %dma_start3A_140 = arith.constant 0 : i32
        %dma_start3A_141 = tpu.memref_slice %arg7[%multiple_of3A_112, %dma_start3A_140] : memref<320000x16xf32, #tpu.memory_space<hbm>> -> memref<128x16xf32, #tpu.memory_space<hbm>>
        %dma_start3A_142 = arith.constant 0 : i32
        %dma_start3A_143 = arith.constant 0 : i32
        %dma_start3A_144 = tpu.memref_slice %arg11[%run_scoped3A_132, %dma_start3A_142, %dma_start3A_143] : memref<2x128x16xf32, #tpu.memory_space<vmem>> -> memref<1x128x16xf32, #tpu.memory_space<vmem>>
        %dma_start3A_145 = tpu.memref_squeeze %dma_start3A_144 : memref<1x128x16xf32, #tpu.memory_space<vmem>> -> memref<128x16xf32, #tpu.memory_space<vmem>>
        tpu.enqueue_dma source(%dma_start3A_145 : memref<128x16xf32, #tpu.memory_space<vmem>>) target(%dma_start3A_141 : memref<128x16xf32, #tpu.memory_space<hbm>>) target_semaphore(%run_scoped3A_133 : memref<!tpu.dma_semaphore, #tpu.memory_space<semaphore_mem>>)
        %dma_wait3A_146 = arith.constant 0 : i32
        %dma_wait3A_147 = arith.constant 0 : i32
        %dma_wait3A_148 = tpu.memref_slice %arg11[%run_scoped3A_132, %dma_wait3A_146, %dma_wait3A_147] : memref<2x128x16xf32, #tpu.memory_space<vmem>> -> memref<1x128x16xf32, #tpu.memory_space<vmem>>
        %dma_wait3A_149 = tpu.memref_squeeze %dma_wait3A_148 : memref<1x128x16xf32, #tpu.memory_space<vmem>> -> memref<128x16xf32, #tpu.memory_space<vmem>>
        %dma_wait3A_150 = arith.constant 0 : i32
        %dma_wait3A_151 = tpu.memref_slice %arg7[%multiple_of3A_112, %dma_wait3A_150] : memref<320000x16xf32, #tpu.memory_space<hbm>> -> memref<128x16xf32, #tpu.memory_space<hbm>>
        %dma_wait3A_152 = arith.constant 0 : i32
        %dma_wait3A_153 = tpu.memref_slice %arg7[%multiple_of3A_112, %dma_wait3A_152] : memref<320000x16xf32, #tpu.memory_space<hbm>> -> memref<128x16xf32, #tpu.memory_space<hbm>>
        %dma_wait3A_154 = arith.constant 0 : i32
        %dma_wait3A_155 = arith.constant 0 : i32
        %dma_wait3A_156 = tpu.memref_slice %arg11[%run_scoped3A_132, %dma_wait3A_154, %dma_wait3A_155] : memref<2x128x16xf32, #tpu.memory_space<vmem>> -> memref<1x128x16xf32, #tpu.memory_space<vmem>>
        %dma_wait3A_157 = tpu.memref_squeeze %dma_wait3A_156 : memref<1x128x16xf32, #tpu.memory_space<vmem>> -> memref<128x16xf32, #tpu.memory_space<vmem>>
        tpu.wait_dma2 semaphore(%run_scoped3A_133 : memref<!tpu.dma_semaphore, #tpu.memory_space<semaphore_mem>>) src(%dma_wait3A_157 : memref<128x16xf32, #tpu.memory_space<vmem>>) dst(%dma_wait3A_153 : memref<128x16xf32, #tpu.memory_space<hbm>>)
        tpu.yield
      }) : () -> ()
    }
    %scan3A_7 = arith.constant 39 : i32
    %multiple_of3A_8 = arith.constant 9984 : i32
    %multiple_of3A_9 = tpu.assume_multiple %multiple_of3A_8, 8 : i32
    %add3A_10 = arith.constant 9984 : i32
    %add3A_11 = arith.addi %multiple_of3A, %add3A_10 : i32
    %multiple_of3A_12 = tpu.assume_multiple %add3A_11, 8 : i32
    %dma_start3A = tpu.memref_slice %arg8[%multiple_of3A_9] : memref<10000xi32, #tpu.memory_space<vmem>> -> memref<16xi32, #tpu.memory_space<vmem>>
    %dma_start3A_13 = arith.constant 0 : i32
    %dma_start3A_14 = arith.constant 0 : i32
    %dma_start3A_15 = tpu.memref_slice %arg2[%dma_start3A_13, %dma_start3A_14] : memref<10000x192xf32, #tpu.memory_space<hbm>> -> memref<10000x192xf32, #tpu.memory_space<hbm>>
    tpu.enqueue_indirect_dma source(%dma_start3A_15 : memref<10000x192xf32, #tpu.memory_space<hbm>>) target(%arg12 : memref<16x192xf32, #tpu.memory_space<vmem>>) offsets(%dma_start3A : memref<16xi32, #tpu.memory_space<vmem>>) semaphore(%arg14 : memref<!tpu.dma_semaphore, #tpu.memory_space<semaphore_mem>>)
    %dma_wait3A = tpu.memref_slice %arg8[%multiple_of3A_9] : memref<10000xi32, #tpu.memory_space<vmem>> -> memref<16xi32, #tpu.memory_space<vmem>>
    %dma_wait3A_16 = arith.constant 0 : i32
    %dma_wait3A_17 = arith.constant 0 : i32
    %dma_wait3A_18 = tpu.memref_slice %arg2[%dma_wait3A_16, %dma_wait3A_17] : memref<10000x192xf32, #tpu.memory_space<hbm>> -> memref<10000x192xf32, #tpu.memory_space<hbm>>
    tpu.wait_indirect_dma semaphore(%arg14 : memref<!tpu.dma_semaphore, #tpu.memory_space<semaphore_mem>>) src(%dma_wait3A_18 : memref<10000x192xf32, #tpu.memory_space<hbm>>) dst(%arg12 : memref<16x192xf32, #tpu.memory_space<vmem>>)
    "tpu.region"() ({
      %run_scoped3A = tpu.sem_alloc : memref<!tpu.dma_semaphore, #tpu.memory_space<semaphore_mem>>
      %dma_start3A_27 = arith.constant 0 : i32
      %dma_start3A_28 = tpu.memref_slice %arg6[%multiple_of3A_12, %dma_start3A_27] : memref<320000x192xf32, #tpu.memory_space<hbm>> -> memref<16x192xf32, #tpu.memory_space<hbm>>
      %dma_start3A_29 = arith.constant 0 : i32
      %dma_start3A_30 = tpu.memref_slice %arg6[%multiple_of3A_12, %dma_start3A_29] : memref<320000x192xf32, #tpu.memory_space<hbm>> -> memref<16x192xf32, #tpu.memory_space<hbm>>
      tpu.enqueue_dma source(%arg12 : memref<16x192xf32, #tpu.memory_space<vmem>>) target(%dma_start3A_30 : memref<16x192xf32, #tpu.memory_space<hbm>>) target_semaphore(%run_scoped3A : memref<!tpu.dma_semaphore, #tpu.memory_space<semaphore_mem>>)
      %dma_wait3A_31 = arith.constant 0 : i32
      %dma_wait3A_32 = tpu.memref_slice %arg6[%multiple_of3A_12, %dma_wait3A_31] : memref<320000x192xf32, #tpu.memory_space<hbm>> -> memref<16x192xf32, #tpu.memory_space<hbm>>
      %dma_wait3A_33 = arith.constant 0 : i32
      %dma_wait3A_34 = tpu.memref_slice %arg6[%multiple_of3A_12, %dma_wait3A_33] : memref<320000x192xf32, #tpu.memory_space<hbm>> -> memref<16x192xf32, #tpu.memory_space<hbm>>
      tpu.wait_dma2 semaphore(%run_scoped3A : memref<!tpu.dma_semaphore, #tpu.memory_space<semaphore_mem>>) src(%arg12 : memref<16x192xf32, #tpu.memory_space<vmem>>) dst(%dma_wait3A_34 : memref<16x192xf32, #tpu.memory_space<hbm>>)
      tpu.yield
    }) : () -> ()
    %dma_start3A_19 = tpu.memref_slice %arg9[%multiple_of3A_9] : memref<10000xi32, #tpu.memory_space<vmem>> -> memref<16xi32, #tpu.memory_space<vmem>>
    %dma_start3A_20 = arith.constant 0 : i32
    %dma_start3A_21 = arith.constant 0 : i32
    %dma_start3A_22 = tpu.memref_slice %arg3[%dma_start3A_20, %dma_start3A_21] : memref<10000x16xf32, #tpu.memory_space<hbm>> -> memref<10000x16xf32, #tpu.memory_space<hbm>>
    tpu.enqueue_indirect_dma source(%dma_start3A_22 : memref<10000x16xf32, #tpu.memory_space<hbm>>) target(%arg13 : memref<16x16xf32, #tpu.memory_space<vmem>>) offsets(%dma_start3A_19 : memref<16xi32, #tpu.memory_space<vmem>>) semaphore(%arg16 : memref<!tpu.dma_semaphore, #tpu.memory_space<semaphore_mem>>)
    %dma_wait3A_23 = tpu.memref_slice %arg9[%multiple_of3A_9] : memref<10000xi32, #tpu.memory_space<vmem>> -> memref<16xi32, #tpu.memory_space<vmem>>
    %dma_wait3A_24 = arith.constant 0 : i32
    %dma_wait3A_25 = arith.constant 0 : i32
    %dma_wait3A_26 = tpu.memref_slice %arg3[%dma_wait3A_24, %dma_wait3A_25] : memref<10000x16xf32, #tpu.memory_space<hbm>> -> memref<10000x16xf32, #tpu.memory_space<hbm>>
    tpu.wait_indirect_dma semaphore(%arg16 : memref<!tpu.dma_semaphore, #tpu.memory_space<semaphore_mem>>) src(%dma_wait3A_26 : memref<10000x16xf32, #tpu.memory_space<hbm>>) dst(%arg13 : memref<16x16xf32, #tpu.memory_space<vmem>>)
    "tpu.region"() ({
      %run_scoped3A = tpu.sem_alloc : memref<!tpu.dma_semaphore, #tpu.memory_space<semaphore_mem>>
      %dma_start3A_27 = arith.constant 0 : i32
      %dma_start3A_28 = tpu.memref_slice %arg7[%multiple_of3A_12, %dma_start3A_27] : memref<320000x16xf32, #tpu.memory_space<hbm>> -> memref<16x16xf32, #tpu.memory_space<hbm>>
      %dma_start3A_29 = arith.constant 0 : i32
      %dma_start3A_30 = tpu.memref_slice %arg7[%multiple_of3A_12, %dma_start3A_29] : memref<320000x16xf32, #tpu.memory_space<hbm>> -> memref<16x16xf32, #tpu.memory_space<hbm>>
      tpu.enqueue_dma source(%arg13 : memref<16x16xf32, #tpu.memory_space<vmem>>) target(%dma_start3A_30 : memref<16x16xf32, #tpu.memory_space<hbm>>) target_semaphore(%run_scoped3A : memref<!tpu.dma_semaphore, #tpu.memory_space<semaphore_mem>>)
      %dma_wait3A_31 = arith.constant 0 : i32
      %dma_wait3A_32 = tpu.memref_slice %arg7[%multiple_of3A_12, %dma_wait3A_31] : memref<320000x16xf32, #tpu.memory_space<hbm>> -> memref<16x16xf32, #tpu.memory_space<hbm>>
      %dma_wait3A_33 = arith.constant 0 : i32
      %dma_wait3A_34 = tpu.memref_slice %arg7[%multiple_of3A_12, %dma_wait3A_33] : memref<320000x16xf32, #tpu.memory_space<hbm>> -> memref<16x16xf32, #tpu.memory_space<hbm>>
      tpu.wait_dma2 semaphore(%run_scoped3A : memref<!tpu.dma_semaphore, #tpu.memory_space<semaphore_mem>>) src(%arg13 : memref<16x16xf32, #tpu.memory_space<vmem>>) dst(%dma_wait3A_34 : memref<16x16xf32, #tpu.memory_space<hbm>>)
      tpu.yield
    }) : () -> ()
    return
  }
}

#map = affine_map<(d0, d1) -> (0, 0)>
#map1 = affine_map<(d0, d1) -> (0)>
#map2 = affine_map<(d0, d1) -> (0, 0, 0)>
module attributes {stable_mosaic.version = 14 : i64} {
  func.func @sk(%arg0: i32, %arg1: i32, %arg2: memref<320000x176xf32, #tpu.memory_space<hbm>>, %arg3: memref<320000xi32, #tpu.memory_space<hbm>>, %arg4: memref<10112x176xf32, #tpu.memory_space<hbm>>, %arg5: memref<2x10112x176xf32, #tpu.memory_space<hbm>>, %arg6: memref<10112x176xf32, #tpu.memory_space<vmem_shared>>, %arg7: memref<2x40xi32, #tpu.memory_space<vmem>>, %arg8: memref<2x40x176xf32, #tpu.memory_space<vmem>>, %arg9: memref<!tpu.dma_semaphore, #tpu.memory_space<semaphore_mem>>, %arg10: memref<!tpu.dma_semaphore, #tpu.memory_space<semaphore_mem>>) attributes {dimension_semantics = [#tpu.dimension_semantics<core_parallel>, #tpu.dimension_semantics<subcore_parallel>], iteration_bounds = array<i64: 2, 16>, scalar_prefetch = 0 : i64, scratch_operands = 5 : i64, tpu.core_type = #tpu.core_type<sc_vector_subcore>, window_params = [{transform_indices = #map}, {transform_indices = #map1}, {transform_indices = #map}, {transform_indices = #map2}]} {
    %mul3A = arith.constant 2 : i32
    %mul3A_0 = arith.muli %arg1, %mul3A : i32
    %add3A = arith.addi %mul3A_0, %arg0 : i32
    %mul3A_1 = arith.constant 10000 : i32
    %mul3A_2 = arith.muli %add3A, %mul3A_1 : i32
    %multiple_of3A = tpu.assume_multiple %mul3A_2, 8 : i32
    %mul3A_3 = arith.constant 632 : i32
    %mul3A_4 = arith.muli %arg1, %mul3A_3 : i32
    %multiple_of3A_5 = tpu.assume_multiple %mul3A_4, 8 : i32
    "tpu.region"() ({
      %run_scoped3A = tpu.sem_alloc : memref<!tpu.dma_semaphore, #tpu.memory_space<semaphore_mem>>
      %dma_start3A = arith.constant 0 : i32
      %dma_start3A_12 = tpu.memref_slice %arg6[%multiple_of3A_5, %dma_start3A] : memref<10112x176xf32, #tpu.memory_space<vmem_shared>> -> memref<632x176xf32, #tpu.memory_space<vmem_shared>>
      %dma_start3A_13 = arith.constant 0 : i32
      %dma_start3A_14 = tpu.memref_slice %arg4[%multiple_of3A_5, %dma_start3A_13] : memref<10112x176xf32, #tpu.memory_space<hbm>> -> memref<632x176xf32, #tpu.memory_space<hbm>>
      tpu.enqueue_dma source(%dma_start3A_14 : memref<632x176xf32, #tpu.memory_space<hbm>>) target(%dma_start3A_12 : memref<632x176xf32, #tpu.memory_space<vmem_shared>>) target_semaphore(%run_scoped3A : memref<!tpu.dma_semaphore, #tpu.memory_space<semaphore_mem>>)
      %dma_wait3A = arith.constant 0 : i32
      %dma_wait3A_15 = tpu.memref_slice %arg6[%multiple_of3A_5, %dma_wait3A] : memref<10112x176xf32, #tpu.memory_space<vmem_shared>> -> memref<632x176xf32, #tpu.memory_space<vmem_shared>>
      %dma_wait3A_16 = arith.constant 0 : i32
      %dma_wait3A_17 = tpu.memref_slice %arg4[%multiple_of3A_5, %dma_wait3A_16] : memref<10112x176xf32, #tpu.memory_space<hbm>> -> memref<632x176xf32, #tpu.memory_space<hbm>>
      tpu.wait_dma2 semaphore(%run_scoped3A : memref<!tpu.dma_semaphore, #tpu.memory_space<semaphore_mem>>) src(%dma_wait3A_17 : memref<632x176xf32, #tpu.memory_space<hbm>>) dst(%dma_wait3A_15 : memref<632x176xf32, #tpu.memory_space<vmem_shared>>)
      tpu.yield
    }) : () -> ()
    %barrier3A = arith.constant 0 : index
    tpu.barrier barrier_id(%barrier3A)
    %scan3A = arith.constant 0 : i32
    %scan3A_6 = arith.constant 0 : i32
    %scan3A_7 = arith.constant 125 : i32
    %scan3A_8 = arith.addi %scan3A_6, %scan3A_7 : i32
    %scan3A_9 = arith.constant 1 : i32
    scf.for %scan3A_12 = %scan3A_6 to %scan3A_8 step %scan3A_9  : i32 {
      %mul3A_13 = arith.constant 2 : i32
      %mul3A_14 = arith.muli %scan3A_12, %mul3A_13 : i32
      %add3A_15 = arith.constant 0 : i32
      %add3A_16 = arith.addi %mul3A_14, %add3A_15 : i32
      %mul3A_17 = arith.constant 40 : i32
      %mul3A_18 = arith.muli %add3A_16, %mul3A_17 : i32
      %add3A_19 = arith.addi %multiple_of3A, %mul3A_18 : i32
      %multiple_of3A_20 = tpu.assume_multiple %add3A_19, 8 : i32
      %dma_start3A = arith.constant 0 : i32
      %dma_start3A_21 = arith.constant 0 : i32
      %dma_start3A_22 = tpu.memref_slice %arg7[%dma_start3A, %dma_start3A_21] : memref<2x40xi32, #tpu.memory_space<vmem>> -> memref<1x40xi32, #tpu.memory_space<vmem>>
      %dma_start3A_23 = tpu.memref_squeeze %dma_start3A_22 : memref<1x40xi32, #tpu.memory_space<vmem>> -> memref<40xi32, #tpu.memory_space<vmem>>
      %dma_start3A_24 = tpu.memref_slice %arg3[%multiple_of3A_20] : memref<320000xi32, #tpu.memory_space<hbm>> -> memref<40xi32, #tpu.memory_space<hbm>>
      %dma_start3A_25 = arith.constant 0 : i32
      %dma_start3A_26 = tpu.memref_slice %arg7[%dma_start3A, %dma_start3A_25] : memref<2x40xi32, #tpu.memory_space<vmem>> -> memref<1x40xi32, #tpu.memory_space<vmem>>
      %dma_start3A_27 = tpu.memref_squeeze %dma_start3A_26 : memref<1x40xi32, #tpu.memory_space<vmem>> -> memref<40xi32, #tpu.memory_space<vmem>>
      %dma_start3A_28 = tpu.memref_slice %arg3[%multiple_of3A_20] : memref<320000xi32, #tpu.memory_space<hbm>> -> memref<40xi32, #tpu.memory_space<hbm>>
      tpu.enqueue_dma source(%dma_start3A_28 : memref<40xi32, #tpu.memory_space<hbm>>) target(%dma_start3A_27 : memref<40xi32, #tpu.memory_space<vmem>>) target_semaphore(%arg9 : memref<!tpu.dma_semaphore, #tpu.memory_space<semaphore_mem>>)
      %dma_start3A_29 = arith.constant 0 : i32
      %dma_start3A_30 = arith.constant 0 : i32
      %dma_start3A_31 = arith.constant 0 : i32
      %dma_start3A_32 = tpu.memref_slice %arg8[%dma_start3A_29, %dma_start3A_30, %dma_start3A_31] : memref<2x40x176xf32, #tpu.memory_space<vmem>> -> memref<1x40x176xf32, #tpu.memory_space<vmem>>
      %dma_start3A_33 = tpu.memref_squeeze %dma_start3A_32 : memref<1x40x176xf32, #tpu.memory_space<vmem>> -> memref<40x176xf32, #tpu.memory_space<vmem>>
      %dma_start3A_34 = arith.constant 0 : i32
      %dma_start3A_35 = tpu.memref_slice %arg2[%multiple_of3A_20, %dma_start3A_34] : memref<320000x176xf32, #tpu.memory_space<hbm>> -> memref<40x176xf32, #tpu.memory_space<hbm>>
      %dma_start3A_36 = arith.constant 0 : i32
      %dma_start3A_37 = arith.constant 0 : i32
      %dma_start3A_38 = tpu.memref_slice %arg8[%dma_start3A_29, %dma_start3A_36, %dma_start3A_37] : memref<2x40x176xf32, #tpu.memory_space<vmem>> -> memref<1x40x176xf32, #tpu.memory_space<vmem>>
      %dma_start3A_39 = tpu.memref_squeeze %dma_start3A_38 : memref<1x40x176xf32, #tpu.memory_space<vmem>> -> memref<40x176xf32, #tpu.memory_space<vmem>>
      %dma_start3A_40 = arith.constant 0 : i32
      %dma_start3A_41 = tpu.memref_slice %arg2[%multiple_of3A_20, %dma_start3A_40] : memref<320000x176xf32, #tpu.memory_space<hbm>> -> memref<40x176xf32, #tpu.memory_space<hbm>>
      tpu.enqueue_dma source(%dma_start3A_41 : memref<40x176xf32, #tpu.memory_space<hbm>>) target(%dma_start3A_39 : memref<40x176xf32, #tpu.memory_space<vmem>>) target_semaphore(%arg9 : memref<!tpu.dma_semaphore, #tpu.memory_space<semaphore_mem>>)
      %mul3A_42 = arith.constant 2 : i32
      %mul3A_43 = arith.muli %scan3A_12, %mul3A_42 : i32
      %add3A_44 = arith.constant 1 : i32
      %add3A_45 = arith.addi %mul3A_43, %add3A_44 : i32
      %mul3A_46 = arith.constant 40 : i32
      %mul3A_47 = arith.muli %add3A_45, %mul3A_46 : i32
      %add3A_48 = arith.addi %multiple_of3A, %mul3A_47 : i32
      %multiple_of3A_49 = tpu.assume_multiple %add3A_48, 8 : i32
      %dma_start3A_50 = arith.constant 1 : i32
      %dma_start3A_51 = arith.constant 0 : i32
      %dma_start3A_52 = tpu.memref_slice %arg7[%dma_start3A_50, %dma_start3A_51] : memref<2x40xi32, #tpu.memory_space<vmem>> -> memref<1x40xi32, #tpu.memory_space<vmem>>
      %dma_start3A_53 = tpu.memref_squeeze %dma_start3A_52 : memref<1x40xi32, #tpu.memory_space<vmem>> -> memref<40xi32, #tpu.memory_space<vmem>>
      %dma_start3A_54 = tpu.memref_slice %arg3[%multiple_of3A_49] : memref<320000xi32, #tpu.memory_space<hbm>> -> memref<40xi32, #tpu.memory_space<hbm>>
      %dma_start3A_55 = arith.constant 0 : i32
      %dma_start3A_56 = tpu.memref_slice %arg7[%dma_start3A_50, %dma_start3A_55] : memref<2x40xi32, #tpu.memory_space<vmem>> -> memref<1x40xi32, #tpu.memory_space<vmem>>
      %dma_start3A_57 = tpu.memref_squeeze %dma_start3A_56 : memref<1x40xi32, #tpu.memory_space<vmem>> -> memref<40xi32, #tpu.memory_space<vmem>>
      %dma_start3A_58 = tpu.memref_slice %arg3[%multiple_of3A_49] : memref<320000xi32, #tpu.memory_space<hbm>> -> memref<40xi32, #tpu.memory_space<hbm>>
      tpu.enqueue_dma source(%dma_start3A_58 : memref<40xi32, #tpu.memory_space<hbm>>) target(%dma_start3A_57 : memref<40xi32, #tpu.memory_space<vmem>>) target_semaphore(%arg10 : memref<!tpu.dma_semaphore, #tpu.memory_space<semaphore_mem>>)
      %dma_start3A_59 = arith.constant 1 : i32
      %dma_start3A_60 = arith.constant 0 : i32
      %dma_start3A_61 = arith.constant 0 : i32
      %dma_start3A_62 = tpu.memref_slice %arg8[%dma_start3A_59, %dma_start3A_60, %dma_start3A_61] : memref<2x40x176xf32, #tpu.memory_space<vmem>> -> memref<1x40x176xf32, #tpu.memory_space<vmem>>
      %dma_start3A_63 = tpu.memref_squeeze %dma_start3A_62 : memref<1x40x176xf32, #tpu.memory_space<vmem>> -> memref<40x176xf32, #tpu.memory_space<vmem>>
      %dma_start3A_64 = arith.constant 0 : i32
      %dma_start3A_65 = tpu.memref_slice %arg2[%multiple_of3A_49, %dma_start3A_64] : memref<320000x176xf32, #tpu.memory_space<hbm>> -> memref<40x176xf32, #tpu.memory_space<hbm>>
      %dma_start3A_66 = arith.constant 0 : i32
      %dma_start3A_67 = arith.constant 0 : i32
      %dma_start3A_68 = tpu.memref_slice %arg8[%dma_start3A_59, %dma_start3A_66, %dma_start3A_67] : memref<2x40x176xf32, #tpu.memory_space<vmem>> -> memref<1x40x176xf32, #tpu.memory_space<vmem>>
      %dma_start3A_69 = tpu.memref_squeeze %dma_start3A_68 : memref<1x40x176xf32, #tpu.memory_space<vmem>> -> memref<40x176xf32, #tpu.memory_space<vmem>>
      %dma_start3A_70 = arith.constant 0 : i32
      %dma_start3A_71 = tpu.memref_slice %arg2[%multiple_of3A_49, %dma_start3A_70] : memref<320000x176xf32, #tpu.memory_space<hbm>> -> memref<40x176xf32, #tpu.memory_space<hbm>>
      tpu.enqueue_dma source(%dma_start3A_71 : memref<40x176xf32, #tpu.memory_space<hbm>>) target(%dma_start3A_69 : memref<40x176xf32, #tpu.memory_space<vmem>>) target_semaphore(%arg10 : memref<!tpu.dma_semaphore, #tpu.memory_space<semaphore_mem>>)
      %dma_wait3A = arith.constant 0 : i32
      %dma_wait3A_72 = arith.constant 0 : i32
      %dma_wait3A_73 = tpu.memref_slice %arg7[%dma_wait3A, %dma_wait3A_72] : memref<2x40xi32, #tpu.memory_space<vmem>> -> memref<1x40xi32, #tpu.memory_space<vmem>>
      %dma_wait3A_74 = tpu.memref_squeeze %dma_wait3A_73 : memref<1x40xi32, #tpu.memory_space<vmem>> -> memref<40xi32, #tpu.memory_space<vmem>>
      %dma_wait3A_75 = tpu.memref_slice %arg3[%multiple_of3A_20] : memref<320000xi32, #tpu.memory_space<hbm>> -> memref<40xi32, #tpu.memory_space<hbm>>
      %dma_wait3A_76 = arith.constant 0 : i32
      %dma_wait3A_77 = tpu.memref_slice %arg7[%dma_wait3A, %dma_wait3A_76] : memref<2x40xi32, #tpu.memory_space<vmem>> -> memref<1x40xi32, #tpu.memory_space<vmem>>
      %dma_wait3A_78 = tpu.memref_squeeze %dma_wait3A_77 : memref<1x40xi32, #tpu.memory_space<vmem>> -> memref<40xi32, #tpu.memory_space<vmem>>
      %dma_wait3A_79 = tpu.memref_slice %arg3[%multiple_of3A_20] : memref<320000xi32, #tpu.memory_space<hbm>> -> memref<40xi32, #tpu.memory_space<hbm>>
      tpu.wait_dma2 semaphore(%arg9 : memref<!tpu.dma_semaphore, #tpu.memory_space<semaphore_mem>>) src(%dma_wait3A_79 : memref<40xi32, #tpu.memory_space<hbm>>) dst(%dma_wait3A_78 : memref<40xi32, #tpu.memory_space<vmem>>)
      %dma_wait3A_80 = arith.constant 0 : i32
      %dma_wait3A_81 = arith.constant 0 : i32
      %dma_wait3A_82 = arith.constant 0 : i32
      %dma_wait3A_83 = tpu.memref_slice %arg8[%dma_wait3A_80, %dma_wait3A_81, %dma_wait3A_82] : memref<2x40x176xf32, #tpu.memory_space<vmem>> -> memref<1x40x176xf32, #tpu.memory_space<vmem>>
      %dma_wait3A_84 = tpu.memref_squeeze %dma_wait3A_83 : memref<1x40x176xf32, #tpu.memory_space<vmem>> -> memref<40x176xf32, #tpu.memory_space<vmem>>
      %dma_wait3A_85 = arith.constant 0 : i32
      %dma_wait3A_86 = tpu.memref_slice %arg2[%multiple_of3A_20, %dma_wait3A_85] : memref<320000x176xf32, #tpu.memory_space<hbm>> -> memref<40x176xf32, #tpu.memory_space<hbm>>
      %dma_wait3A_87 = arith.constant 0 : i32
      %dma_wait3A_88 = arith.constant 0 : i32
      %dma_wait3A_89 = tpu.memref_slice %arg8[%dma_wait3A_80, %dma_wait3A_87, %dma_wait3A_88] : memref<2x40x176xf32, #tpu.memory_space<vmem>> -> memref<1x40x176xf32, #tpu.memory_space<vmem>>
      %dma_wait3A_90 = tpu.memref_squeeze %dma_wait3A_89 : memref<1x40x176xf32, #tpu.memory_space<vmem>> -> memref<40x176xf32, #tpu.memory_space<vmem>>
      %dma_wait3A_91 = arith.constant 0 : i32
      %dma_wait3A_92 = tpu.memref_slice %arg2[%multiple_of3A_20, %dma_wait3A_91] : memref<320000x176xf32, #tpu.memory_space<hbm>> -> memref<40x176xf32, #tpu.memory_space<hbm>>
      tpu.wait_dma2 semaphore(%arg9 : memref<!tpu.dma_semaphore, #tpu.memory_space<semaphore_mem>>) src(%dma_wait3A_92 : memref<40x176xf32, #tpu.memory_space<hbm>>) dst(%dma_wait3A_90 : memref<40x176xf32, #tpu.memory_space<vmem>>)
      %run_scoped3A = arith.constant 0 : i32
      %run_scoped3A_93 = arith.constant 0 : i32
      "tpu.region"() ({
        %run_scoped3A_118 = tpu.sem_alloc : memref<!tpu.dma_semaphore, #tpu.memory_space<semaphore_mem>>
        %dma_start3A_119 = arith.constant 0 : i32
        %dma_start3A_120 = arith.constant 0 : i32
        %dma_start3A_121 = tpu.memref_slice %arg8[%run_scoped3A, %dma_start3A_119, %dma_start3A_120] : memref<2x40x176xf32, #tpu.memory_space<vmem>> -> memref<1x40x176xf32, #tpu.memory_space<vmem>>
        %dma_start3A_122 = tpu.memref_squeeze %dma_start3A_121 : memref<1x40x176xf32, #tpu.memory_space<vmem>> -> memref<40x176xf32, #tpu.memory_space<vmem>>
        %dma_start3A_123 = arith.constant 0 : i32
        %dma_start3A_124 = tpu.memref_slice %arg7[%run_scoped3A_93, %dma_start3A_123] : memref<2x40xi32, #tpu.memory_space<vmem>> -> memref<1x40xi32, #tpu.memory_space<vmem>>
        %dma_start3A_125 = tpu.memref_squeeze %dma_start3A_124 : memref<1x40xi32, #tpu.memory_space<vmem>> -> memref<40xi32, #tpu.memory_space<vmem>>
        %dma_start3A_126 = arith.constant 0 : i32
        %dma_start3A_127 = arith.constant 0 : i32
        %dma_start3A_128 = tpu.memref_slice %arg6[%dma_start3A_126, %dma_start3A_127] : memref<10112x176xf32, #tpu.memory_space<vmem_shared>> -> memref<10112x176xf32, #tpu.memory_space<vmem_shared>>
        tpu.enqueue_indirect_dma source(%dma_start3A_122 : memref<40x176xf32, #tpu.memory_space<vmem>>) target(%dma_start3A_128 : memref<10112x176xf32, #tpu.memory_space<vmem_shared>>) offsets(%dma_start3A_125 : memref<40xi32, #tpu.memory_space<vmem>>) semaphore(%run_scoped3A_118 : memref<!tpu.dma_semaphore, #tpu.memory_space<semaphore_mem>>) {add = true}
        %dma_wait3A_129 = arith.constant 0 : i32
        %dma_wait3A_130 = arith.constant 0 : i32
        %dma_wait3A_131 = tpu.memref_slice %arg8[%run_scoped3A, %dma_wait3A_129, %dma_wait3A_130] : memref<2x40x176xf32, #tpu.memory_space<vmem>> -> memref<1x40x176xf32, #tpu.memory_space<vmem>>
        %dma_wait3A_132 = tpu.memref_squeeze %dma_wait3A_131 : memref<1x40x176xf32, #tpu.memory_space<vmem>> -> memref<40x176xf32, #tpu.memory_space<vmem>>
        %dma_wait3A_133 = arith.constant 0 : i32
        %dma_wait3A_134 = tpu.memref_slice %arg7[%run_scoped3A_93, %dma_wait3A_133] : memref<2x40xi32, #tpu.memory_space<vmem>> -> memref<1x40xi32, #tpu.memory_space<vmem>>
        %dma_wait3A_135 = tpu.memref_squeeze %dma_wait3A_134 : memref<1x40xi32, #tpu.memory_space<vmem>> -> memref<40xi32, #tpu.memory_space<vmem>>
        %dma_wait3A_136 = arith.constant 0 : i32
        %dma_wait3A_137 = arith.constant 0 : i32
        %dma_wait3A_138 = tpu.memref_slice %arg6[%dma_wait3A_136, %dma_wait3A_137] : memref<10112x176xf32, #tpu.memory_space<vmem_shared>> -> memref<10112x176xf32, #tpu.memory_space<vmem_shared>>
        tpu.wait_indirect_dma semaphore(%run_scoped3A_118 : memref<!tpu.dma_semaphore, #tpu.memory_space<semaphore_mem>>) src(%dma_wait3A_132 : memref<40x176xf32, #tpu.memory_space<vmem>>) dst(%dma_wait3A_138 : memref<10112x176xf32, #tpu.memory_space<vmem_shared>>)
        tpu.yield
      }) : () -> ()
      %dma_wait3A_94 = arith.constant 1 : i32
      %dma_wait3A_95 = arith.constant 0 : i32
      %dma_wait3A_96 = tpu.memref_slice %arg7[%dma_wait3A_94, %dma_wait3A_95] : memref<2x40xi32, #tpu.memory_space<vmem>> -> memref<1x40xi32, #tpu.memory_space<vmem>>
      %dma_wait3A_97 = tpu.memref_squeeze %dma_wait3A_96 : memref<1x40xi32, #tpu.memory_space<vmem>> -> memref<40xi32, #tpu.memory_space<vmem>>
      %dma_wait3A_98 = tpu.memref_slice %arg3[%multiple_of3A_49] : memref<320000xi32, #tpu.memory_space<hbm>> -> memref<40xi32, #tpu.memory_space<hbm>>
      %dma_wait3A_99 = arith.constant 0 : i32
      %dma_wait3A_100 = tpu.memref_slice %arg7[%dma_wait3A_94, %dma_wait3A_99] : memref<2x40xi32, #tpu.memory_space<vmem>> -> memref<1x40xi32, #tpu.memory_space<vmem>>
      %dma_wait3A_101 = tpu.memref_squeeze %dma_wait3A_100 : memref<1x40xi32, #tpu.memory_space<vmem>> -> memref<40xi32, #tpu.memory_space<vmem>>
      %dma_wait3A_102 = tpu.memref_slice %arg3[%multiple_of3A_49] : memref<320000xi32, #tpu.memory_space<hbm>> -> memref<40xi32, #tpu.memory_space<hbm>>
      tpu.wait_dma2 semaphore(%arg10 : memref<!tpu.dma_semaphore, #tpu.memory_space<semaphore_mem>>) src(%dma_wait3A_102 : memref<40xi32, #tpu.memory_space<hbm>>) dst(%dma_wait3A_101 : memref<40xi32, #tpu.memory_space<vmem>>)
      %dma_wait3A_103 = arith.constant 1 : i32
      %dma_wait3A_104 = arith.constant 0 : i32
      %dma_wait3A_105 = arith.constant 0 : i32
      %dma_wait3A_106 = tpu.memref_slice %arg8[%dma_wait3A_103, %dma_wait3A_104, %dma_wait3A_105] : memref<2x40x176xf32, #tpu.memory_space<vmem>> -> memref<1x40x176xf32, #tpu.memory_space<vmem>>
      %dma_wait3A_107 = tpu.memref_squeeze %dma_wait3A_106 : memref<1x40x176xf32, #tpu.memory_space<vmem>> -> memref<40x176xf32, #tpu.memory_space<vmem>>
      %dma_wait3A_108 = arith.constant 0 : i32
      %dma_wait3A_109 = tpu.memref_slice %arg2[%multiple_of3A_49, %dma_wait3A_108] : memref<320000x176xf32, #tpu.memory_space<hbm>> -> memref<40x176xf32, #tpu.memory_space<hbm>>
      %dma_wait3A_110 = arith.constant 0 : i32
      %dma_wait3A_111 = arith.constant 0 : i32
      %dma_wait3A_112 = tpu.memref_slice %arg8[%dma_wait3A_103, %dma_wait3A_110, %dma_wait3A_111] : memref<2x40x176xf32, #tpu.memory_space<vmem>> -> memref<1x40x176xf32, #tpu.memory_space<vmem>>
      %dma_wait3A_113 = tpu.memref_squeeze %dma_wait3A_112 : memref<1x40x176xf32, #tpu.memory_space<vmem>> -> memref<40x176xf32, #tpu.memory_space<vmem>>
      %dma_wait3A_114 = arith.constant 0 : i32
      %dma_wait3A_115 = tpu.memref_slice %arg2[%multiple_of3A_49, %dma_wait3A_114] : memref<320000x176xf32, #tpu.memory_space<hbm>> -> memref<40x176xf32, #tpu.memory_space<hbm>>
      tpu.wait_dma2 semaphore(%arg10 : memref<!tpu.dma_semaphore, #tpu.memory_space<semaphore_mem>>) src(%dma_wait3A_115 : memref<40x176xf32, #tpu.memory_space<hbm>>) dst(%dma_wait3A_113 : memref<40x176xf32, #tpu.memory_space<vmem>>)
      %run_scoped3A_116 = arith.constant 1 : i32
      %run_scoped3A_117 = arith.constant 1 : i32
      "tpu.region"() ({
        %run_scoped3A_118 = tpu.sem_alloc : memref<!tpu.dma_semaphore, #tpu.memory_space<semaphore_mem>>
        %dma_start3A_119 = arith.constant 0 : i32
        %dma_start3A_120 = arith.constant 0 : i32
        %dma_start3A_121 = tpu.memref_slice %arg8[%run_scoped3A_116, %dma_start3A_119, %dma_start3A_120] : memref<2x40x176xf32, #tpu.memory_space<vmem>> -> memref<1x40x176xf32, #tpu.memory_space<vmem>>
        %dma_start3A_122 = tpu.memref_squeeze %dma_start3A_121 : memref<1x40x176xf32, #tpu.memory_space<vmem>> -> memref<40x176xf32, #tpu.memory_space<vmem>>
        %dma_start3A_123 = arith.constant 0 : i32
        %dma_start3A_124 = tpu.memref_slice %arg7[%run_scoped3A_117, %dma_start3A_123] : memref<2x40xi32, #tpu.memory_space<vmem>> -> memref<1x40xi32, #tpu.memory_space<vmem>>
        %dma_start3A_125 = tpu.memref_squeeze %dma_start3A_124 : memref<1x40xi32, #tpu.memory_space<vmem>> -> memref<40xi32, #tpu.memory_space<vmem>>
        %dma_start3A_126 = arith.constant 0 : i32
        %dma_start3A_127 = arith.constant 0 : i32
        %dma_start3A_128 = tpu.memref_slice %arg6[%dma_start3A_126, %dma_start3A_127] : memref<10112x176xf32, #tpu.memory_space<vmem_shared>> -> memref<10112x176xf32, #tpu.memory_space<vmem_shared>>
        tpu.enqueue_indirect_dma source(%dma_start3A_122 : memref<40x176xf32, #tpu.memory_space<vmem>>) target(%dma_start3A_128 : memref<10112x176xf32, #tpu.memory_space<vmem_shared>>) offsets(%dma_start3A_125 : memref<40xi32, #tpu.memory_space<vmem>>) semaphore(%run_scoped3A_118 : memref<!tpu.dma_semaphore, #tpu.memory_space<semaphore_mem>>) {add = true}
        %dma_wait3A_129 = arith.constant 0 : i32
        %dma_wait3A_130 = arith.constant 0 : i32
        %dma_wait3A_131 = tpu.memref_slice %arg8[%run_scoped3A_116, %dma_wait3A_129, %dma_wait3A_130] : memref<2x40x176xf32, #tpu.memory_space<vmem>> -> memref<1x40x176xf32, #tpu.memory_space<vmem>>
        %dma_wait3A_132 = tpu.memref_squeeze %dma_wait3A_131 : memref<1x40x176xf32, #tpu.memory_space<vmem>> -> memref<40x176xf32, #tpu.memory_space<vmem>>
        %dma_wait3A_133 = arith.constant 0 : i32
        %dma_wait3A_134 = tpu.memref_slice %arg7[%run_scoped3A_117, %dma_wait3A_133] : memref<2x40xi32, #tpu.memory_space<vmem>> -> memref<1x40xi32, #tpu.memory_space<vmem>>
        %dma_wait3A_135 = tpu.memref_squeeze %dma_wait3A_134 : memref<1x40xi32, #tpu.memory_space<vmem>> -> memref<40xi32, #tpu.memory_space<vmem>>
        %dma_wait3A_136 = arith.constant 0 : i32
        %dma_wait3A_137 = arith.constant 0 : i32
        %dma_wait3A_138 = tpu.memref_slice %arg6[%dma_wait3A_136, %dma_wait3A_137] : memref<10112x176xf32, #tpu.memory_space<vmem_shared>> -> memref<10112x176xf32, #tpu.memory_space<vmem_shared>>
        tpu.wait_indirect_dma semaphore(%run_scoped3A_118 : memref<!tpu.dma_semaphore, #tpu.memory_space<semaphore_mem>>) src(%dma_wait3A_132 : memref<40x176xf32, #tpu.memory_space<vmem>>) dst(%dma_wait3A_138 : memref<10112x176xf32, #tpu.memory_space<vmem_shared>>)
        tpu.yield
      }) : () -> ()
    }
    %scan3A_10 = arith.constant 125 : i32
    %barrier3A_11 = arith.constant 0 : index
    tpu.barrier barrier_id(%barrier3A_11)
    "tpu.region"() ({
      %run_scoped3A = tpu.sem_alloc : memref<!tpu.dma_semaphore, #tpu.memory_space<semaphore_mem>>
      %dma_start3A = arith.constant 0 : i32
      %dma_start3A_12 = tpu.memref_slice %arg5[%arg0, %multiple_of3A_5, %dma_start3A] : memref<2x10112x176xf32, #tpu.memory_space<hbm>> -> memref<1x632x176xf32, #tpu.memory_space<hbm>>
      %dma_start3A_13 = tpu.memref_squeeze %dma_start3A_12 : memref<1x632x176xf32, #tpu.memory_space<hbm>> -> memref<632x176xf32, #tpu.memory_space<hbm>>
      %dma_start3A_14 = arith.constant 0 : i32
      %dma_start3A_15 = tpu.memref_slice %arg6[%multiple_of3A_5, %dma_start3A_14] : memref<10112x176xf32, #tpu.memory_space<vmem_shared>> -> memref<632x176xf32, #tpu.memory_space<vmem_shared>>
      tpu.enqueue_dma source(%dma_start3A_15 : memref<632x176xf32, #tpu.memory_space<vmem_shared>>) target(%dma_start3A_13 : memref<632x176xf32, #tpu.memory_space<hbm>>) target_semaphore(%run_scoped3A : memref<!tpu.dma_semaphore, #tpu.memory_space<semaphore_mem>>)
      %dma_wait3A = arith.constant 0 : i32
      %dma_wait3A_16 = tpu.memref_slice %arg5[%arg0, %multiple_of3A_5, %dma_wait3A] : memref<2x10112x176xf32, #tpu.memory_space<hbm>> -> memref<1x632x176xf32, #tpu.memory_space<hbm>>
      %dma_wait3A_17 = tpu.memref_squeeze %dma_wait3A_16 : memref<1x632x176xf32, #tpu.memory_space<hbm>> -> memref<632x176xf32, #tpu.memory_space<hbm>>
      %dma_wait3A_18 = arith.constant 0 : i32
      %dma_wait3A_19 = tpu.memref_slice %arg6[%multiple_of3A_5, %dma_wait3A_18] : memref<10112x176xf32, #tpu.memory_space<vmem_shared>> -> memref<632x176xf32, #tpu.memory_space<vmem_shared>>
      tpu.wait_dma2 semaphore(%run_scoped3A : memref<!tpu.dma_semaphore, #tpu.memory_space<semaphore_mem>>) src(%dma_wait3A_19 : memref<632x176xf32, #tpu.memory_space<vmem_shared>>) dst(%dma_wait3A_17 : memref<632x176xf32, #tpu.memory_space<hbm>>)
      tpu.yield
    }) : () -> ()
    return
  }
}

module attributes {stable_mosaic.version = 14 : i64} {
  func.func @_edge_kernel(%arg0: i32, %arg1: memref<2000x192xf32, #tpu.memory_space<vmem>>, %arg2: memref<2000x16xf32, #tpu.memory_space<vmem>>, %arg3: memref<128x128xf32, #tpu.memory_space<vmem>>, %arg4: memref<16x128xf32, #tpu.memory_space<vmem>>, %arg5: memref<17x128xf32, #tpu.memory_space<vmem>>, %arg6: memref<48x96xf32, #tpu.memory_space<vmem>>, %arg7: memref<3x96xf32, #tpu.memory_space<vmem>>, %arg8: memref<96x17xf32, #tpu.memory_space<vmem>>, %arg9: memref<96x48xf32, #tpu.memory_space<vmem>>, %arg10: memref<16x48xf32, #tpu.memory_space<vmem>>, %arg11: memref<1x128xf32, #tpu.memory_space<vmem>>, %arg12: memref<128x16xf32, #tpu.memory_space<vmem>>, %arg13: memref<1x16xf32, #tpu.memory_space<vmem>>, %arg14: memref<2000x176xf32, #tpu.memory_space<vmem>>) attributes {dimension_semantics = [#tpu.dimension_semantics<arbitrary>], iteration_bounds = array<i64: 160>, scalar_prefetch = 0 : i64, scratch_operands = 0 : i64, tpu.core_type = #tpu.core_type<tc>, window_params = [{transform_indices = @transform_0, window_bounds = array<i64: 2000, 192>}, {transform_indices = @transform_1, window_bounds = array<i64: 2000, 16>}, {pipeline_mode = #tpu.pipeline_mode<synchronous>, transform_indices = @transform_2, window_bounds = array<i64: 128, 128>}, {pipeline_mode = #tpu.pipeline_mode<synchronous>, transform_indices = @transform_3, window_bounds = array<i64: 16, 128>}, {pipeline_mode = #tpu.pipeline_mode<synchronous>, transform_indices = @transform_4, window_bounds = array<i64: 17, 128>}, {pipeline_mode = #tpu.pipeline_mode<synchronous>, transform_indices = @transform_5, window_bounds = array<i64: 48, 96>}, {pipeline_mode = #tpu.pipeline_mode<synchronous>, transform_indices = @transform_6, window_bounds = array<i64: 3, 96>}, {pipeline_mode = #tpu.pipeline_mode<synchronous>, transform_indices = @transform_7, window_bounds = array<i64: 96, 17>}, {pipeline_mode = #tpu.pipeline_mode<synchronous>, transform_indices = @transform_8, window_bounds = array<i64: 96, 48>}, {pipeline_mode = #tpu.pipeline_mode<synchronous>, transform_indices = @transform_9, window_bounds = array<i64: 16, 48>}, {pipeline_mode = #tpu.pipeline_mode<synchronous>, transform_indices = @transform_10, window_bounds = array<i64: 1, 128>}, {pipeline_mode = #tpu.pipeline_mode<synchronous>, transform_indices = @transform_11, window_bounds = array<i64: 128, 16>}, {pipeline_mode = #tpu.pipeline_mode<synchronous>, transform_indices = @transform_12, window_bounds = array<i64: 1, 16>}, {transform_indices = @transform_13, window_bounds = array<i64: 2000, 176>}]} {
    %get3A = arith.constant 0 : index
    %get3A_0 = arith.constant 0 : index
    %get3A_1 = vector.load %arg1[%get3A, %get3A_0] : memref<2000x192xf32, #tpu.memory_space<vmem>>, vector<2000x192xf32>
    %slice3A = vector.extract_strided_slice %get3A_1 {offsets = [0, 176], sizes = [2000, 3], strides = [1, 1]} : vector<2000x192xf32> to vector<2000x3xf32>
    %get3A_2 = arith.constant 0 : index
    %get3A_3 = arith.constant 0 : index
    %get3A_4 = vector.load %arg2[%get3A_2, %get3A_3] : memref<2000x16xf32, #tpu.memory_space<vmem>>, vector<2000x3xf32>
    %sub3A = arith.subf %get3A_4, %slice3A : vector<2000x3xf32>
    %mul3A = arith.mulf %sub3A, %sub3A : vector<2000x3xf32>
    %reduce_sum3A = arith.constant dense<0.000000e+00> : vector<2000xf32>
    %reduce_sum3A_5 = vector.multi_reduction <add>, %mul3A, %reduce_sum3A [1] : vector<2000x3xf32> to vector<2000xf32>
    %broadcast_in_dim3A = vector.shape_cast %reduce_sum3A_5 : vector<2000xf32> to vector<2000x1xf32>
    %jit3A = arith.constant 9.99999993E-9 : f32
    %max3A = vector.broadcast %jit3A : f32 to vector<2000x1xf32>
    %max3A_6 = arith.maximumf %max3A, %broadcast_in_dim3A : vector<2000x1xf32>
    %sqrt3A = math.sqrt %max3A_6 : vector<2000x1xf32>
    %div3A = vector.broadcast %sqrt3A : vector<2000x1xf32> to vector<2000x3xf32>
    %div3A_7 = arith.divf %sub3A, %div3A : vector<2000x3xf32>
    %iota3A = tpu.iota {dimensions = array<i32: 1>} : vector<1x16xi32>
    %iota3A_8 = vector.shape_cast %iota3A : vector<1x16xi32> to vector<16xi32>
    %convert_element_type3A = arith.sitofp %iota3A_8 : vector<16xi32> to vector<16xf32>
    %mul3A_9 = arith.constant 1.000000e+00 : f32
    %mul3A_10 = vector.broadcast %mul3A_9 : f32 to vector<16xf32>
    %mul3A_11 = arith.mulf %convert_element_type3A, %mul3A_10 : vector<16xf32>
    %broadcast_in_dim3A_12 = vector.shape_cast %mul3A_11 : vector<16xf32> to vector<1x16xf32>
    %sub3A_13 = vector.broadcast %sqrt3A : vector<2000x1xf32> to vector<2000x16xf32>
    %sub3A_14 = vector.broadcast %broadcast_in_dim3A_12 : vector<1x16xf32> to vector<2000x16xf32>
    %sub3A_15 = arith.subf %sub3A_13, %sub3A_14 : vector<2000x16xf32>
    %div3A_16 = arith.constant 9.375000e-01 : f32
    %div3A_17 = vector.broadcast %div3A_16 : f32 to vector<2000x16xf32>
    %div3A_18 = arith.divf %sub3A_15, %div3A_17 : vector<2000x16xf32>
    %integer_pow3A = arith.mulf %div3A_18, %div3A_18 : vector<2000x16xf32>
    %neg3A = arith.constant 0.000000e+00 : f32
    %neg3A_19 = vector.broadcast %neg3A : f32 to vector<2000x16xf32>
    %neg3A_20 = arith.subf %neg3A_19, %integer_pow3A : vector<2000x16xf32>
    %exp3A = math.exp %neg3A_20 : vector<2000x16xf32>
    %slice3A_21 = vector.extract_strided_slice %get3A_1 {offsets = [0, 128], sizes = [2000, 48], strides = [1, 1]} : vector<2000x192xf32> to vector<2000x48xf32>
    %get3A_22 = arith.constant 0 : index
    %get3A_23 = arith.constant 0 : index
    %get3A_24 = vector.load %arg6[%get3A_22, %get3A_23] : memref<48x96xf32, #tpu.memory_space<vmem>>, vector<48x96xf32>
    %dot_general3A = arith.constant dense<0.000000e+00> : vector<2000x96xf32>
    %dot_general3A_25 = tpu.matmul %slice3A_21, %get3A_24, %dot_general3A {dimension_numbers = #tpu.dot_dimension_numbers<[1], [0], [0], [1], [0, 0, 1, 1], [], []>, transpose_lhs_hint = false} : vector<2000x48xf32>, vector<48x96xf32>, vector<2000x96xf32> -> vector<2000x96xf32>
    %get3A_26 = arith.constant 0 : index
    %get3A_27 = arith.constant 0 : index
    %get3A_28 = vector.load %arg7[%get3A_26, %get3A_27] : memref<3x96xf32, #tpu.memory_space<vmem>>, vector<3x96xf32>
    %dot_general3A_29 = arith.constant dense<0.000000e+00> : vector<2000x96xf32>
    %dot_general3A_30 = tpu.matmul %div3A_7, %get3A_28, %dot_general3A_29 {dimension_numbers = #tpu.dot_dimension_numbers<[1], [0], [0], [1], [0, 0, 1, 1], [], []>, transpose_lhs_hint = false} : vector<2000x3xf32>, vector<3x96xf32>, vector<2000x96xf32> -> vector<2000x96xf32>
    %add3A = arith.addf %dot_general3A_25, %dot_general3A_30 : vector<2000x96xf32>
    %mul3A_31 = arith.mulf %add3A, %add3A : vector<2000x96xf32>
    %get3A_32 = arith.constant 0 : index
    %get3A_33 = arith.constant 0 : index
    %get3A_34 = vector.load %arg8[%get3A_32, %get3A_33] : memref<96x17xf32, #tpu.memory_space<vmem>>, vector<96x17xf32>
    %dot_general3A_35 = arith.constant dense<0.000000e+00> : vector<2000x17xf32>
    %dot_general3A_36 = tpu.matmul %mul3A_31, %get3A_34, %dot_general3A_35 {dimension_numbers = #tpu.dot_dimension_numbers<[1], [0], [0], [1], [0, 0, 1, 1], [], []>, transpose_lhs_hint = false} : vector<2000x96xf32>, vector<96x17xf32>, vector<2000x17xf32> -> vector<2000x17xf32>
    %jit3A_37 = arith.constant 9.99999993E-9 : f32
    %max3A_38 = vector.broadcast %jit3A_37 : f32 to vector<2000x17xf32>
    %max3A_39 = arith.maximumf %max3A_38, %dot_general3A_36 : vector<2000x17xf32>
    %sqrt3A_40 = math.sqrt %max3A_39 : vector<2000x17xf32>
    %slice3A_41 = vector.extract_strided_slice %get3A_1 {offsets = [0, 0], sizes = [2000, 128], strides = [1, 1]} : vector<2000x192xf32> to vector<2000x128xf32>
    %get3A_42 = arith.constant 0 : index
    %get3A_43 = arith.constant 0 : index
    %get3A_44 = vector.load %arg3[%get3A_42, %get3A_43] : memref<128x128xf32, #tpu.memory_space<vmem>>, vector<128x128xf32>
    %dot_general3A_45 = arith.constant dense<0.000000e+00> : vector<2000x128xf32>
    %dot_general3A_46 = tpu.matmul %slice3A_41, %get3A_44, %dot_general3A_45 {dimension_numbers = #tpu.dot_dimension_numbers<[1], [0], [0], [1], [0, 0, 1, 1], [], []>, transpose_lhs_hint = false} : vector<2000x128xf32>, vector<128x128xf32>, vector<2000x128xf32> -> vector<2000x128xf32>
    %get3A_47 = arith.constant 0 : index
    %get3A_48 = arith.constant 0 : index
    %get3A_49 = vector.load %arg4[%get3A_47, %get3A_48] : memref<16x128xf32, #tpu.memory_space<vmem>>, vector<16x128xf32>
    %dot_general3A_50 = arith.constant dense<0.000000e+00> : vector<2000x128xf32>
    %dot_general3A_51 = tpu.matmul %exp3A, %get3A_49, %dot_general3A_50 {dimension_numbers = #tpu.dot_dimension_numbers<[1], [0], [0], [1], [0, 0, 1, 1], [], []>, transpose_lhs_hint = false} : vector<2000x16xf32>, vector<16x128xf32>, vector<2000x128xf32> -> vector<2000x128xf32>
    %add3A_52 = arith.addf %dot_general3A_46, %dot_general3A_51 : vector<2000x128xf32>
    %get3A_53 = arith.constant 0 : index
    %get3A_54 = arith.constant 0 : index
    %get3A_55 = vector.load %arg5[%get3A_53, %get3A_54] : memref<17x128xf32, #tpu.memory_space<vmem>>, vector<17x128xf32>
    %dot_general3A_56 = arith.constant dense<0.000000e+00> : vector<2000x128xf32>
    %dot_general3A_57 = tpu.matmul %sqrt3A_40, %get3A_55, %dot_general3A_56 {dimension_numbers = #tpu.dot_dimension_numbers<[1], [0], [0], [1], [0, 0, 1, 1], [], []>, transpose_lhs_hint = false} : vector<2000x17xf32>, vector<17x128xf32>, vector<2000x128xf32> -> vector<2000x128xf32>
    %add3A_58 = arith.addf %add3A_52, %dot_general3A_57 : vector<2000x128xf32>
    %get3A_59 = arith.constant 0 : index
    %get3A_60 = arith.constant 0 : index
    %get3A_61 = vector.load %arg11[%get3A_59, %get3A_60] : memref<1x128xf32, #tpu.memory_space<vmem>>, vector<1x128xf32>
    %add3A_62 = vector.broadcast %get3A_61 : vector<1x128xf32> to vector<2000x128xf32>
    %add3A_63 = arith.addf %add3A_58, %add3A_62 : vector<2000x128xf32>
    %neg3A_64 = arith.constant 0.000000e+00 : f32
    %neg3A_65 = vector.broadcast %neg3A_64 : f32 to vector<2000x128xf32>
    %neg3A_66 = arith.subf %neg3A_65, %add3A_63 : vector<2000x128xf32>
    %exp3A_67 = math.exp %neg3A_66 : vector<2000x128xf32>
    %add3A_68 = arith.constant 1.000000e+00 : f32
    %add3A_69 = vector.broadcast %add3A_68 : f32 to vector<2000x128xf32>
    %add3A_70 = arith.addf %add3A_69, %exp3A_67 : vector<2000x128xf32>
    %div3A_71 = arith.constant 1.000000e+00 : f32
    %div3A_72 = vector.broadcast %div3A_71 : f32 to vector<2000x128xf32>
    %div3A_73 = arith.divf %div3A_72, %add3A_70 : vector<2000x128xf32>
    %mul3A_74 = arith.mulf %add3A_63, %div3A_73 : vector<2000x128xf32>
    %get3A_75 = arith.constant 0 : index
    %get3A_76 = arith.constant 0 : index
    %get3A_77 = vector.load %arg12[%get3A_75, %get3A_76] : memref<128x16xf32, #tpu.memory_space<vmem>>, vector<128x16xf32>
    %dot_general3A_78 = arith.constant dense<0.000000e+00> : vector<2000x16xf32>
    %dot_general3A_79 = tpu.matmul %mul3A_74, %get3A_77, %dot_general3A_78 {dimension_numbers = #tpu.dot_dimension_numbers<[1], [0], [0], [1], [0, 0, 1, 1], [], []>, transpose_lhs_hint = false} : vector<2000x128xf32>, vector<128x16xf32>, vector<2000x16xf32> -> vector<2000x16xf32>
    %get3A_80 = arith.constant 0 : index
    %get3A_81 = arith.constant 0 : index
    %get3A_82 = vector.load %arg13[%get3A_80, %get3A_81] : memref<1x16xf32, #tpu.memory_space<vmem>>, vector<1x16xf32>
    %add3A_83 = vector.broadcast %get3A_82 : vector<1x16xf32> to vector<2000x16xf32>
    %add3A_84 = arith.addf %dot_general3A_79, %add3A_83 : vector<2000x16xf32>
    %neg3A_85 = arith.constant 0.000000e+00 : f32
    %neg3A_86 = vector.broadcast %neg3A_85 : f32 to vector<2000x16xf32>
    %neg3A_87 = arith.subf %neg3A_86, %add3A_84 : vector<2000x16xf32>
    %exp3A_88 = math.exp %neg3A_87 : vector<2000x16xf32>
    %add3A_89 = arith.constant 1.000000e+00 : f32
    %add3A_90 = vector.broadcast %add3A_89 : f32 to vector<2000x16xf32>
    %add3A_91 = arith.addf %add3A_90, %exp3A_88 : vector<2000x16xf32>
    %div3A_92 = arith.constant 1.000000e+00 : f32
    %div3A_93 = vector.broadcast %div3A_92 : f32 to vector<2000x16xf32>
    %div3A_94 = arith.divf %div3A_93, %add3A_91 : vector<2000x16xf32>
    %swap3A = arith.constant 0 : index
    %swap3A_95 = arith.constant 0 : index
    %swap3A_96 = vector.load %arg14[%swap3A, %swap3A_95] : memref<2000x176xf32, #tpu.memory_space<vmem>>, vector<2000x128xf32>
    tpu.vector_store %arg14[%swap3A, %swap3A_95], %mul3A_74 {strides = array<i32>} : memref<2000x176xf32, #tpu.memory_space<vmem>>, vector<2000x128xf32>,
    %get3A_97 = arith.constant 0 : index
    %get3A_98 = arith.constant 0 : index
    %get3A_99 = vector.load %arg10[%get3A_97, %get3A_98] : memref<16x48xf32, #tpu.memory_space<vmem>>, vector<16x48xf32>
    %dot_general3A_100 = arith.constant dense<0.000000e+00> : vector<2000x48xf32>
    %dot_general3A_101 = tpu.matmul %div3A_94, %get3A_99, %dot_general3A_100 {dimension_numbers = #tpu.dot_dimension_numbers<[1], [0], [0], [1], [0, 0, 1, 1], [], []>, transpose_lhs_hint = false} : vector<2000x16xf32>, vector<16x48xf32>, vector<2000x48xf32> -> vector<2000x48xf32>
    %get3A_102 = arith.constant 0 : index
    %get3A_103 = arith.constant 0 : index
    %get3A_104 = vector.load %arg9[%get3A_102, %get3A_103] : memref<96x48xf32, #tpu.memory_space<vmem>>, vector<96x48xf32>
    %dot_general3A_105 = arith.constant dense<0.000000e+00> : vector<2000x48xf32>
    %dot_general3A_106 = tpu.matmul %add3A, %get3A_104, %dot_general3A_105 {dimension_numbers = #tpu.dot_dimension_numbers<[1], [0], [0], [1], [0, 0, 1, 1], [], []>, transpose_lhs_hint = false} : vector<2000x96xf32>, vector<96x48xf32>, vector<2000x48xf32> -> vector<2000x48xf32>
    %mul3A_107 = arith.mulf %dot_general3A_101, %dot_general3A_106 : vector<2000x48xf32>
    %swap3A_108 = arith.constant 0 : index
    %swap3A_109 = arith.constant 128 : index
    %swap3A_110 = vector.load %arg14[%swap3A_108, %swap3A_109] : memref<2000x176xf32, #tpu.memory_space<vmem>>, vector<2000x48xf32>
    tpu.vector_store %arg14[%swap3A_108, %swap3A_109], %mul3A_107 {strides = array<i32>} : memref<2000x176xf32, #tpu.memory_space<vmem>>, vector<2000x48xf32>,
    return
  }
  func.func @transform_0(%arg0: i32) -> (i32, i32) {
    %c0_i32 = arith.constant 0 : i32
    %c0_i32_0 = arith.constant 0 : i32
    return %arg0, %c0_i32 : i32, i32
  }
  func.func @transform_1(%arg0: i32) -> (i32, i32) {
    %c0_i32 = arith.constant 0 : i32
    %c0_i32_0 = arith.constant 0 : i32
    return %arg0, %c0_i32 : i32, i32
  }
  func.func @transform_2(%arg0: i32) -> (i32, i32) {
    %c0_i32 = arith.constant 0 : i32
    %c0_i32_0 = arith.constant 0 : i32
    %c0_i32_1 = arith.constant 0 : i32
    return %c0_i32, %c0_i32_0 : i32, i32
  }
  func.func @transform_3(%arg0: i32) -> (i32, i32) {
    %c0_i32 = arith.constant 0 : i32
    %c0_i32_0 = arith.constant 0 : i32
    %c0_i32_1 = arith.constant 0 : i32
    return %c0_i32, %c0_i32_0 : i32, i32
  }
  func.func @transform_4(%arg0: i32) -> (i32, i32) {
    %c0_i32 = arith.constant 0 : i32
    %c0_i32_0 = arith.constant 0 : i32
    %c0_i32_1 = arith.constant 0 : i32
    return %c0_i32, %c0_i32_0 : i32, i32
  }
  func.func @transform_5(%arg0: i32) -> (i32, i32) {
    %c0_i32 = arith.constant 0 : i32
    %c0_i32_0 = arith.constant 0 : i32
    %c0_i32_1 = arith.constant 0 : i32
    return %c0_i32, %c0_i32_0 : i32, i32
  }
  func.func @transform_6(%arg0: i32) -> (i32, i32) {
    %c0_i32 = arith.constant 0 : i32
    %c0_i32_0 = arith.constant 0 : i32
    %c0_i32_1 = arith.constant 0 : i32
    return %c0_i32, %c0_i32_0 : i32, i32
  }
  func.func @transform_7(%arg0: i32) -> (i32, i32) {
    %c0_i32 = arith.constant 0 : i32
    %c0_i32_0 = arith.constant 0 : i32
    %c0_i32_1 = arith.constant 0 : i32
    return %c0_i32, %c0_i32_0 : i32, i32
  }
  func.func @transform_8(%arg0: i32) -> (i32, i32) {
    %c0_i32 = arith.constant 0 : i32
    %c0_i32_0 = arith.constant 0 : i32
    %c0_i32_1 = arith.constant 0 : i32
    return %c0_i32, %c0_i32_0 : i32, i32
  }
  func.func @transform_9(%arg0: i32) -> (i32, i32) {
    %c0_i32 = arith.constant 0 : i32
    %c0_i32_0 = arith.constant 0 : i32
    %c0_i32_1 = arith.constant 0 : i32
    return %c0_i32, %c0_i32_0 : i32, i32
  }
  func.func @transform_10(%arg0: i32) -> (i32, i32) {
    %c0_i32 = arith.constant 0 : i32
    %c0_i32_0 = arith.constant 0 : i32
    %c0_i32_1 = arith.constant 0 : i32
    return %c0_i32, %c0_i32_0 : i32, i32
  }
  func.func @transform_11(%arg0: i32) -> (i32, i32) {
    %c0_i32 = arith.constant 0 : i32
    %c0_i32_0 = arith.constant 0 : i32
    %c0_i32_1 = arith.constant 0 : i32
    return %c0_i32, %c0_i32_0 : i32, i32
  }
  func.func @transform_12(%arg0: i32) -> (i32, i32) {
    %c0_i32 = arith.constant 0 : i32
    %c0_i32_0 = arith.constant 0 : i32
    %c0_i32_1 = arith.constant 0 : i32
    return %c0_i32, %c0_i32_0 : i32, i32
  }
  func.func @transform_13(%arg0: i32) -> (i32, i32) {
    %c0_i32 = arith.constant 0 : i32
    %c0_i32_0 = arith.constant 0 : i32
    return %arg0, %c0_i32 : i32, i32
  }
}

module attributes {stable_mosaic.version = 14 : i64} {
  func.func @_node_kernel(%arg0: i32, %arg1: memref<2000x176xf32, #tpu.memory_space<vmem>>, %arg2: memref<2000x176xf32, #tpu.memory_space<vmem>>, %arg3: memref<2000x128xf32, #tpu.memory_space<vmem>>, %arg4: memref<2000x48xf32, #tpu.memory_space<vmem>>, %arg5: memref<128x128xf32, #tpu.memory_space<vmem>>, %arg6: memref<16x128xf32, #tpu.memory_space<vmem>>, %arg7: memref<48x96xf32, #tpu.memory_space<vmem>>, %arg8: memref<96x16xf32, #tpu.memory_space<vmem>>, %arg9: memref<96x48xf32, #tpu.memory_space<vmem>>, %arg10: memref<16x48xf32, #tpu.memory_space<vmem>>, %arg11: memref<48x16xf32, #tpu.memory_space<vmem>>, %arg12: memref<1x128xf32, #tpu.memory_space<vmem>>, %arg13: memref<128x16xf32, #tpu.memory_space<vmem>>, %arg14: memref<1x16xf32, #tpu.memory_space<vmem>>, %arg15: memref<1x128xf32, #tpu.memory_space<vmem>>, %arg16: memref<1x128xf32, #tpu.memory_space<vmem>>, %arg17: memref<1x128xf32, #tpu.memory_space<vmem>>, %arg18: memref<1x128xf32, #tpu.memory_space<vmem>>, %arg19: memref<2000x128xf32, #tpu.memory_space<vmem>>, %arg20: memref<2000x48xf32, #tpu.memory_space<vmem>>) attributes {dimension_semantics = [#tpu.dimension_semantics<arbitrary>], iteration_bounds = array<i64: 5>, scalar_prefetch = 0 : i64, scratch_operands = 0 : i64, tpu.core_type = #tpu.core_type<tc>, window_params = [{transform_indices = @transform_0, window_bounds = array<i64: 2000, 176>}, {transform_indices = @transform_1, window_bounds = array<i64: 2000, 176>}, {transform_indices = @transform_2, window_bounds = array<i64: 2000, 128>}, {transform_indices = @transform_3, window_bounds = array<i64: 2000, 48>}, {pipeline_mode = #tpu.pipeline_mode<synchronous>, transform_indices = @transform_4, window_bounds = array<i64: 128, 128>}, {pipeline_mode = #tpu.pipeline_mode<synchronous>, transform_indices = @transform_5, window_bounds = array<i64: 16, 128>}, {pipeline_mode = #tpu.pipeline_mode<synchronous>, transform_indices = @transform_6, window_bounds = array<i64: 48, 96>}, {pipeline_mode = #tpu.pipeline_mode<synchronous>, transform_indices = @transform_7, window_bounds = array<i64: 96, 16>}, {pipeline_mode = #tpu.pipeline_mode<synchronous>, transform_indices = @transform_8, window_bounds = array<i64: 96, 48>}, {pipeline_mode = #tpu.pipeline_mode<synchronous>, transform_indices = @transform_9, window_bounds = array<i64: 16, 48>}, {pipeline_mode = #tpu.pipeline_mode<synchronous>, transform_indices = @transform_10, window_bounds = array<i64: 48, 16>}, {pipeline_mode = #tpu.pipeline_mode<synchronous>, transform_indices = @transform_11, window_bounds = array<i64: 1, 128>}, {pipeline_mode = #tpu.pipeline_mode<synchronous>, transform_indices = @transform_12, window_bounds = array<i64: 128, 16>}, {pipeline_mode = #tpu.pipeline_mode<synchronous>, transform_indices = @transform_13, window_bounds = array<i64: 1, 16>}, {pipeline_mode = #tpu.pipeline_mode<synchronous>, transform_indices = @transform_14, window_bounds = array<i64: 1, 128>}, {pipeline_mode = #tpu.pipeline_mode<synchronous>, transform_indices = @transform_15, window_bounds = array<i64: 1, 128>}, {pipeline_mode = #tpu.pipeline_mode<synchronous>, transform_indices = @transform_16, window_bounds = array<i64: 1, 128>}, {pipeline_mode = #tpu.pipeline_mode<synchronous>, transform_indices = @transform_17, window_bounds = array<i64: 1, 128>}, {transform_indices = @transform_18, window_bounds = array<i64: 2000, 128>}, {transform_indices = @transform_19, window_bounds = array<i64: 2000, 48>}]} {
    %get3A = arith.constant 0 : index
    %get3A_0 = arith.constant 0 : index
    %get3A_1 = vector.load %arg1[%get3A, %get3A_0] : memref<2000x176xf32, #tpu.memory_space<vmem>>, vector<2000x176xf32>
    %get3A_2 = arith.constant 0 : index
    %get3A_3 = arith.constant 0 : index
    %get3A_4 = vector.load %arg2[%get3A_2, %get3A_3] : memref<2000x176xf32, #tpu.memory_space<vmem>>, vector<2000x176xf32>
    %add3A = arith.addf %get3A_1, %get3A_4 : vector<2000x176xf32>
    %mul3A = arith.constant 1.000000e-01 : f32
    %mul3A_5 = vector.broadcast %mul3A : f32 to vector<2000x176xf32>
    %mul3A_6 = arith.mulf %add3A, %mul3A_5 : vector<2000x176xf32>
    %slice3A = vector.extract_strided_slice %mul3A_6 {offsets = [0, 0], sizes = [2000, 128], strides = [1, 1]} : vector<2000x176xf32> to vector<2000x128xf32>
    %reduce_sum3A = arith.constant dense<0.000000e+00> : vector<2000xf32>
    %reduce_sum3A_7 = vector.multi_reduction <add>, %slice3A, %reduce_sum3A [1] : vector<2000x128xf32> to vector<2000xf32>
    %broadcast_in_dim3A = vector.shape_cast %reduce_sum3A_7 : vector<2000xf32> to vector<2000x1xf32>
    %div3A = arith.constant 1.280000e+02 : f32
    %div3A_8 = vector.broadcast %div3A : f32 to vector<2000x1xf32>
    %div3A_9 = arith.divf %broadcast_in_dim3A, %div3A_8 : vector<2000x1xf32>
    %sub3A = vector.broadcast %div3A_9 : vector<2000x1xf32> to vector<2000x128xf32>
    %sub3A_10 = arith.subf %slice3A, %sub3A : vector<2000x128xf32>
    %integer_pow3A = arith.mulf %sub3A_10, %sub3A_10 : vector<2000x128xf32>
    %reduce_sum3A_11 = arith.constant dense<0.000000e+00> : vector<2000xf32>
    %reduce_sum3A_12 = vector.multi_reduction <add>, %integer_pow3A, %reduce_sum3A_11 [1] : vector<2000x128xf32> to vector<2000xf32>
    %broadcast_in_dim3A_13 = vector.shape_cast %reduce_sum3A_12 : vector<2000xf32> to vector<2000x1xf32>
    %div3A_14 = arith.constant 1.280000e+02 : f32
    %div3A_15 = vector.broadcast %div3A_14 : f32 to vector<2000x1xf32>
    %div3A_16 = arith.divf %broadcast_in_dim3A_13, %div3A_15 : vector<2000x1xf32>
    %sub3A_17 = vector.broadcast %div3A_9 : vector<2000x1xf32> to vector<2000x128xf32>
    %sub3A_18 = arith.subf %slice3A, %sub3A_17 : vector<2000x128xf32>
    %add3A_19 = arith.constant 9.99999974E-6 : f32
    %add3A_20 = vector.broadcast %add3A_19 : f32 to vector<2000x1xf32>
    %add3A_21 = arith.addf %div3A_16, %add3A_20 : vector<2000x1xf32>
    %sqrt3A = math.sqrt %add3A_21 : vector<2000x1xf32>
    %div3A_22 = vector.broadcast %sqrt3A : vector<2000x1xf32> to vector<2000x128xf32>
    %div3A_23 = arith.divf %sub3A_18, %div3A_22 : vector<2000x128xf32>
    %get3A_24 = arith.constant 0 : index
    %get3A_25 = arith.constant 0 : index
    %get3A_26 = vector.load %arg15[%get3A_24, %get3A_25] : memref<1x128xf32, #tpu.memory_space<vmem>>, vector<1x128xf32>
    %mul3A_27 = vector.broadcast %get3A_26 : vector<1x128xf32> to vector<2000x128xf32>
    %mul3A_28 = arith.mulf %div3A_23, %mul3A_27 : vector<2000x128xf32>
    %get3A_29 = arith.constant 0 : index
    %get3A_30 = arith.constant 0 : index
    %get3A_31 = vector.load %arg16[%get3A_29, %get3A_30] : memref<1x128xf32, #tpu.memory_space<vmem>>, vector<1x128xf32>
    %add3A_32 = vector.broadcast %get3A_31 : vector<1x128xf32> to vector<2000x128xf32>
    %add3A_33 = arith.addf %mul3A_28, %add3A_32 : vector<2000x128xf32>
    %slice3A_34 = vector.extract_strided_slice %mul3A_6 {offsets = [0, 128], sizes = [2000, 48], strides = [1, 1]} : vector<2000x176xf32> to vector<2000x48xf32>
    %get3A_35 = arith.constant 0 : index
    %get3A_36 = arith.constant 0 : index
    %get3A_37 = vector.load %arg11[%get3A_35, %get3A_36] : memref<48x16xf32, #tpu.memory_space<vmem>>, vector<48x16xf32>
    %mul3A_38 = arith.mulf %slice3A_34, %slice3A_34 : vector<2000x48xf32>
    %dot_general3A = arith.constant dense<0.000000e+00> : vector<2000x16xf32>
    %dot_general3A_39 = tpu.matmul %mul3A_38, %get3A_37, %dot_general3A {dimension_numbers = #tpu.dot_dimension_numbers<[1], [0], [0], [1], [0, 0, 1, 1], [], []>, transpose_lhs_hint = false} : vector<2000x48xf32>, vector<48x16xf32>, vector<2000x16xf32> -> vector<2000x16xf32>
    %jit3A = arith.constant 9.99999993E-9 : f32
    %max3A = vector.broadcast %jit3A : f32 to vector<2000x16xf32>
    %max3A_40 = arith.maximumf %max3A, %dot_general3A_39 : vector<2000x16xf32>
    %reduce_sum3A_41 = arith.constant dense<0.000000e+00> : vector<2000xf32>
    %reduce_sum3A_42 = vector.multi_reduction <add>, %max3A_40, %reduce_sum3A_41 [1] : vector<2000x16xf32> to vector<2000xf32>
    %broadcast_in_dim3A_43 = vector.shape_cast %reduce_sum3A_42 : vector<2000xf32> to vector<2000x1xf32>
    %div3A_44 = arith.constant 1.600000e+01 : f32
    %div3A_45 = vector.broadcast %div3A_44 : f32 to vector<2000x1xf32>
    %div3A_46 = arith.divf %broadcast_in_dim3A_43, %div3A_45 : vector<2000x1xf32>
    %sqrt3A_47 = math.sqrt %div3A_46 : vector<2000x1xf32>
    %get3A_48 = arith.constant 0 : index
    %get3A_49 = arith.constant 0 : index
    %get3A_50 = vector.load %arg3[%get3A_48, %get3A_49] : memref<2000x128xf32, #tpu.memory_space<vmem>>, vector<2000x128xf32>
    %add3A_51 = arith.addf %get3A_50, %add3A_33 : vector<2000x128xf32>
    %get3A_52 = arith.constant 0 : index
    %get3A_53 = arith.constant 0 : index
    %get3A_54 = vector.load %arg4[%get3A_52, %get3A_53] : memref<2000x48xf32, #tpu.memory_space<vmem>>, vector<2000x48xf32>
    %div3A_55 = vector.broadcast %sqrt3A_47 : vector<2000x1xf32> to vector<2000x48xf32>
    %div3A_56 = arith.divf %slice3A_34, %div3A_55 : vector<2000x48xf32>
    %add3A_57 = arith.addf %get3A_54, %div3A_56 : vector<2000x48xf32>
    %get3A_58 = arith.constant 0 : index
    %get3A_59 = arith.constant 0 : index
    %get3A_60 = vector.load %arg7[%get3A_58, %get3A_59] : memref<48x96xf32, #tpu.memory_space<vmem>>, vector<48x96xf32>
    %dot_general3A_61 = arith.constant dense<0.000000e+00> : vector<2000x96xf32>
    %dot_general3A_62 = tpu.matmul %add3A_57, %get3A_60, %dot_general3A_61 {dimension_numbers = #tpu.dot_dimension_numbers<[1], [0], [0], [1], [0, 0, 1, 1], [], []>, transpose_lhs_hint = false} : vector<2000x48xf32>, vector<48x96xf32>, vector<2000x96xf32> -> vector<2000x96xf32>
    %mul3A_63 = arith.mulf %dot_general3A_62, %dot_general3A_62 : vector<2000x96xf32>
    %get3A_64 = arith.constant 0 : index
    %get3A_65 = arith.constant 0 : index
    %get3A_66 = vector.load %arg8[%get3A_64, %get3A_65] : memref<96x16xf32, #tpu.memory_space<vmem>>, vector<96x16xf32>
    %dot_general3A_67 = arith.constant dense<0.000000e+00> : vector<2000x16xf32>
    %dot_general3A_68 = tpu.matmul %mul3A_63, %get3A_66, %dot_general3A_67 {dimension_numbers = #tpu.dot_dimension_numbers<[1], [0], [0], [1], [0, 0, 1, 1], [], []>, transpose_lhs_hint = false} : vector<2000x96xf32>, vector<96x16xf32>, vector<2000x16xf32> -> vector<2000x16xf32>
    %jit3A_69 = arith.constant 9.99999993E-9 : f32
    %max3A_70 = vector.broadcast %jit3A_69 : f32 to vector<2000x16xf32>
    %max3A_71 = arith.maximumf %max3A_70, %dot_general3A_68 : vector<2000x16xf32>
    %sqrt3A_72 = math.sqrt %max3A_71 : vector<2000x16xf32>
    %get3A_73 = arith.constant 0 : index
    %get3A_74 = arith.constant 0 : index
    %get3A_75 = vector.load %arg5[%get3A_73, %get3A_74] : memref<128x128xf32, #tpu.memory_space<vmem>>, vector<128x128xf32>
    %dot_general3A_76 = arith.constant dense<0.000000e+00> : vector<2000x128xf32>
    %dot_general3A_77 = tpu.matmul %add3A_51, %get3A_75, %dot_general3A_76 {dimension_numbers = #tpu.dot_dimension_numbers<[1], [0], [0], [1], [0, 0, 1, 1], [], []>, transpose_lhs_hint = false} : vector<2000x128xf32>, vector<128x128xf32>, vector<2000x128xf32> -> vector<2000x128xf32>
    %get3A_78 = arith.constant 0 : index
    %get3A_79 = arith.constant 0 : index
    %get3A_80 = vector.load %arg6[%get3A_78, %get3A_79] : memref<16x128xf32, #tpu.memory_space<vmem>>, vector<16x128xf32>
    %dot_general3A_81 = arith.constant dense<0.000000e+00> : vector<2000x128xf32>
    %dot_general3A_82 = tpu.matmul %sqrt3A_72, %get3A_80, %dot_general3A_81 {dimension_numbers = #tpu.dot_dimension_numbers<[1], [0], [0], [1], [0, 0, 1, 1], [], []>, transpose_lhs_hint = false} : vector<2000x16xf32>, vector<16x128xf32>, vector<2000x128xf32> -> vector<2000x128xf32>
    %add3A_83 = arith.addf %dot_general3A_77, %dot_general3A_82 : vector<2000x128xf32>
    %get3A_84 = arith.constant 0 : index
    %get3A_85 = arith.constant 0 : index
    %get3A_86 = vector.load %arg12[%get3A_84, %get3A_85] : memref<1x128xf32, #tpu.memory_space<vmem>>, vector<1x128xf32>
    %add3A_87 = vector.broadcast %get3A_86 : vector<1x128xf32> to vector<2000x128xf32>
    %add3A_88 = arith.addf %add3A_83, %add3A_87 : vector<2000x128xf32>
    %neg3A = arith.constant 0.000000e+00 : f32
    %neg3A_89 = vector.broadcast %neg3A : f32 to vector<2000x128xf32>
    %neg3A_90 = arith.subf %neg3A_89, %add3A_88 : vector<2000x128xf32>
    %exp3A = math.exp %neg3A_90 : vector<2000x128xf32>
    %add3A_91 = arith.constant 1.000000e+00 : f32
    %add3A_92 = vector.broadcast %add3A_91 : f32 to vector<2000x128xf32>
    %add3A_93 = arith.addf %add3A_92, %exp3A : vector<2000x128xf32>
    %div3A_94 = arith.constant 1.000000e+00 : f32
    %div3A_95 = vector.broadcast %div3A_94 : f32 to vector<2000x128xf32>
    %div3A_96 = arith.divf %div3A_95, %add3A_93 : vector<2000x128xf32>
    %mul3A_97 = arith.mulf %add3A_88, %div3A_96 : vector<2000x128xf32>
    %get3A_98 = arith.constant 0 : index
    %get3A_99 = arith.constant 0 : index
    %get3A_100 = vector.load %arg13[%get3A_98, %get3A_99] : memref<128x16xf32, #tpu.memory_space<vmem>>, vector<128x16xf32>
    %dot_general3A_101 = arith.constant dense<0.000000e+00> : vector<2000x16xf32>
    %dot_general3A_102 = tpu.matmul %mul3A_97, %get3A_100, %dot_general3A_101 {dimension_numbers = #tpu.dot_dimension_numbers<[1], [0], [0], [1], [0, 0, 1, 1], [], []>, transpose_lhs_hint = false} : vector<2000x128xf32>, vector<128x16xf32>, vector<2000x16xf32> -> vector<2000x16xf32>
    %get3A_103 = arith.constant 0 : index
    %get3A_104 = arith.constant 0 : index
    %get3A_105 = vector.load %arg14[%get3A_103, %get3A_104] : memref<1x16xf32, #tpu.memory_space<vmem>>, vector<1x16xf32>
    %add3A_106 = vector.broadcast %get3A_105 : vector<1x16xf32> to vector<2000x16xf32>
    %add3A_107 = arith.addf %dot_general3A_102, %add3A_106 : vector<2000x16xf32>
    %neg3A_108 = arith.constant 0.000000e+00 : f32
    %neg3A_109 = vector.broadcast %neg3A_108 : f32 to vector<2000x16xf32>
    %neg3A_110 = arith.subf %neg3A_109, %add3A_107 : vector<2000x16xf32>
    %exp3A_111 = math.exp %neg3A_110 : vector<2000x16xf32>
    %add3A_112 = arith.constant 1.000000e+00 : f32
    %add3A_113 = vector.broadcast %add3A_112 : f32 to vector<2000x16xf32>
    %add3A_114 = arith.addf %add3A_113, %exp3A_111 : vector<2000x16xf32>
    %div3A_115 = arith.constant 1.000000e+00 : f32
    %div3A_116 = vector.broadcast %div3A_115 : f32 to vector<2000x16xf32>
    %div3A_117 = arith.divf %div3A_116, %add3A_114 : vector<2000x16xf32>
    %get3A_118 = arith.constant 0 : index
    %get3A_119 = arith.constant 0 : index
    %get3A_120 = vector.load %arg10[%get3A_118, %get3A_119] : memref<16x48xf32, #tpu.memory_space<vmem>>, vector<16x48xf32>
    %dot_general3A_121 = arith.constant dense<0.000000e+00> : vector<2000x48xf32>
    %dot_general3A_122 = tpu.matmul %div3A_117, %get3A_120, %dot_general3A_121 {dimension_numbers = #tpu.dot_dimension_numbers<[1], [0], [0], [1], [0, 0, 1, 1], [], []>, transpose_lhs_hint = false} : vector<2000x16xf32>, vector<16x48xf32>, vector<2000x48xf32> -> vector<2000x48xf32>
    %get3A_123 = arith.constant 0 : index
    %get3A_124 = arith.constant 0 : index
    %get3A_125 = vector.load %arg9[%get3A_123, %get3A_124] : memref<96x48xf32, #tpu.memory_space<vmem>>, vector<96x48xf32>
    %dot_general3A_126 = arith.constant dense<0.000000e+00> : vector<2000x48xf32>
    %dot_general3A_127 = tpu.matmul %dot_general3A_62, %get3A_125, %dot_general3A_126 {dimension_numbers = #tpu.dot_dimension_numbers<[1], [0], [0], [1], [0, 0, 1, 1], [], []>, transpose_lhs_hint = false} : vector<2000x96xf32>, vector<96x48xf32>, vector<2000x48xf32> -> vector<2000x48xf32>
    %mul3A_128 = arith.mulf %dot_general3A_122, %dot_general3A_127 : vector<2000x48xf32>
    %add3A_129 = arith.addf %add3A_51, %mul3A_97 : vector<2000x128xf32>
    %add3A_130 = arith.addf %add3A_57, %mul3A_128 : vector<2000x48xf32>
    %reduce_sum3A_131 = arith.constant dense<0.000000e+00> : vector<2000xf32>
    %reduce_sum3A_132 = vector.multi_reduction <add>, %add3A_129, %reduce_sum3A_131 [1] : vector<2000x128xf32> to vector<2000xf32>
    %broadcast_in_dim3A_133 = vector.shape_cast %reduce_sum3A_132 : vector<2000xf32> to vector<2000x1xf32>
    %div3A_134 = arith.constant 1.280000e+02 : f32
    %div3A_135 = vector.broadcast %div3A_134 : f32 to vector<2000x1xf32>
    %div3A_136 = arith.divf %broadcast_in_dim3A_133, %div3A_135 : vector<2000x1xf32>
    %sub3A_137 = vector.broadcast %div3A_136 : vector<2000x1xf32> to vector<2000x128xf32>
    %sub3A_138 = arith.subf %add3A_129, %sub3A_137 : vector<2000x128xf32>
    %integer_pow3A_139 = arith.mulf %sub3A_138, %sub3A_138 : vector<2000x128xf32>
    %reduce_sum3A_140 = arith.constant dense<0.000000e+00> : vector<2000xf32>
    %reduce_sum3A_141 = vector.multi_reduction <add>, %integer_pow3A_139, %reduce_sum3A_140 [1] : vector<2000x128xf32> to vector<2000xf32>
    %broadcast_in_dim3A_142 = vector.shape_cast %reduce_sum3A_141 : vector<2000xf32> to vector<2000x1xf32>
    %div3A_143 = arith.constant 1.280000e+02 : f32
    %div3A_144 = vector.broadcast %div3A_143 : f32 to vector<2000x1xf32>
    %div3A_145 = arith.divf %broadcast_in_dim3A_142, %div3A_144 : vector<2000x1xf32>
    %sub3A_146 = vector.broadcast %div3A_136 : vector<2000x1xf32> to vector<2000x128xf32>
    %sub3A_147 = arith.subf %add3A_129, %sub3A_146 : vector<2000x128xf32>
    %add3A_148 = arith.constant 9.99999974E-6 : f32
    %add3A_149 = vector.broadcast %add3A_148 : f32 to vector<2000x1xf32>
    %add3A_150 = arith.addf %div3A_145, %add3A_149 : vector<2000x1xf32>
    %sqrt3A_151 = math.sqrt %add3A_150 : vector<2000x1xf32>
    %div3A_152 = vector.broadcast %sqrt3A_151 : vector<2000x1xf32> to vector<2000x128xf32>
    %div3A_153 = arith.divf %sub3A_147, %div3A_152 : vector<2000x128xf32>
    %get3A_154 = arith.constant 0 : index
    %get3A_155 = arith.constant 0 : index
    %get3A_156 = vector.load %arg17[%get3A_154, %get3A_155] : memref<1x128xf32, #tpu.memory_space<vmem>>, vector<1x128xf32>
    %mul3A_157 = vector.broadcast %get3A_156 : vector<1x128xf32> to vector<2000x128xf32>
    %mul3A_158 = arith.mulf %div3A_153, %mul3A_157 : vector<2000x128xf32>
    %get3A_159 = arith.constant 0 : index
    %get3A_160 = arith.constant 0 : index
    %get3A_161 = vector.load %arg18[%get3A_159, %get3A_160] : memref<1x128xf32, #tpu.memory_space<vmem>>, vector<1x128xf32>
    %add3A_162 = vector.broadcast %get3A_161 : vector<1x128xf32> to vector<2000x128xf32>
    %add3A_163 = arith.addf %mul3A_158, %add3A_162 : vector<2000x128xf32>
    %swap3A = arith.constant 0 : index
    %swap3A_164 = arith.constant 0 : index
    %swap3A_165 = vector.load %arg19[%swap3A, %swap3A_164] : memref<2000x128xf32, #tpu.memory_space<vmem>>, vector<2000x128xf32>
    tpu.vector_store %arg19[%swap3A, %swap3A_164], %add3A_163 {strides = array<i32>} : memref<2000x128xf32, #tpu.memory_space<vmem>>, vector<2000x128xf32>,
    %mul3A_166 = arith.mulf %add3A_130, %add3A_130 : vector<2000x48xf32>
    %dot_general3A_167 = arith.constant dense<0.000000e+00> : vector<2000x16xf32>
    %dot_general3A_168 = tpu.matmul %mul3A_166, %get3A_37, %dot_general3A_167 {dimension_numbers = #tpu.dot_dimension_numbers<[1], [0], [0], [1], [0, 0, 1, 1], [], []>, transpose_lhs_hint = false} : vector<2000x48xf32>, vector<48x16xf32>, vector<2000x16xf32> -> vector<2000x16xf32>
    %jit3A_169 = arith.constant 9.99999993E-9 : f32
    %max3A_170 = vector.broadcast %jit3A_169 : f32 to vector<2000x16xf32>
    %max3A_171 = arith.maximumf %max3A_170, %dot_general3A_168 : vector<2000x16xf32>
    %reduce_sum3A_172 = arith.constant dense<0.000000e+00> : vector<2000xf32>
    %reduce_sum3A_173 = vector.multi_reduction <add>, %max3A_171, %reduce_sum3A_172 [1] : vector<2000x16xf32> to vector<2000xf32>
    %broadcast_in_dim3A_174 = vector.shape_cast %reduce_sum3A_173 : vector<2000xf32> to vector<2000x1xf32>
    %div3A_175 = arith.constant 1.600000e+01 : f32
    %div3A_176 = vector.broadcast %div3A_175 : f32 to vector<2000x1xf32>
    %div3A_177 = arith.divf %broadcast_in_dim3A_174, %div3A_176 : vector<2000x1xf32>
    %sqrt3A_178 = math.sqrt %div3A_177 : vector<2000x1xf32>
    %div3A_179 = vector.broadcast %sqrt3A_178 : vector<2000x1xf32> to vector<2000x48xf32>
    %div3A_180 = arith.divf %add3A_130, %div3A_179 : vector<2000x48xf32>
    %swap3A_181 = arith.constant 0 : index
    %swap3A_182 = arith.constant 0 : index
    %swap3A_183 = vector.load %arg20[%swap3A_181, %swap3A_182] : memref<2000x48xf32, #tpu.memory_space<vmem>>, vector<2000x48xf32>
    tpu.vector_store %arg20[%swap3A_181, %swap3A_182], %div3A_180 {strides = array<i32>} : memref<2000x48xf32, #tpu.memory_space<vmem>>, vector<2000x48xf32>,
    return
  }
  func.func @transform_0(%arg0: i32) -> (i32, i32) {
    %c0_i32 = arith.constant 0 : i32
    %c0_i32_0 = arith.constant 0 : i32
    return %arg0, %c0_i32 : i32, i32
  }
  func.func @transform_1(%arg0: i32) -> (i32, i32) {
    %c0_i32 = arith.constant 0 : i32
    %c0_i32_0 = arith.constant 0 : i32
    return %arg0, %c0_i32 : i32, i32
  }
  func.func @transform_2(%arg0: i32) -> (i32, i32) {
    %c0_i32 = arith.constant 0 : i32
    %c0_i32_0 = arith.constant 0 : i32
    return %arg0, %c0_i32 : i32, i32
  }
  func.func @transform_3(%arg0: i32) -> (i32, i32) {
    %c0_i32 = arith.constant 0 : i32
    %c0_i32_0 = arith.constant 0 : i32
    return %arg0, %c0_i32 : i32, i32
  }
  func.func @transform_4(%arg0: i32) -> (i32, i32) {
    %c0_i32 = arith.constant 0 : i32
    %c0_i32_0 = arith.constant 0 : i32
    %c0_i32_1 = arith.constant 0 : i32
    return %c0_i32, %c0_i32_0 : i32, i32
  }
  func.func @transform_5(%arg0: i32) -> (i32, i32) {
    %c0_i32 = arith.constant 0 : i32
    %c0_i32_0 = arith.constant 0 : i32
    %c0_i32_1 = arith.constant 0 : i32
    return %c0_i32, %c0_i32_0 : i32, i32
  }
  func.func @transform_6(%arg0: i32) -> (i32, i32) {
    %c0_i32 = arith.constant 0 : i32
    %c0_i32_0 = arith.constant 0 : i32
    %c0_i32_1 = arith.constant 0 : i32
    return %c0_i32, %c0_i32_0 : i32, i32
  }
  func.func @transform_7(%arg0: i32) -> (i32, i32) {
    %c0_i32 = arith.constant 0 : i32
    %c0_i32_0 = arith.constant 0 : i32
    %c0_i32_1 = arith.constant 0 : i32
    return %c0_i32, %c0_i32_0 : i32, i32
  }
  func.func @transform_8(%arg0: i32) -> (i32, i32) {
    %c0_i32 = arith.constant 0 : i32
    %c0_i32_0 = arith.constant 0 : i32
    %c0_i32_1 = arith.constant 0 : i32
    return %c0_i32, %c0_i32_0 : i32, i32
  }
  func.func @transform_9(%arg0: i32) -> (i32, i32) {
    %c0_i32 = arith.constant 0 : i32
    %c0_i32_0 = arith.constant 0 : i32
    %c0_i32_1 = arith.constant 0 : i32
    return %c0_i32, %c0_i32_0 : i32, i32
  }
  func.func @transform_10(%arg0: i32) -> (i32, i32) {
    %c0_i32 = arith.constant 0 : i32
    %c0_i32_0 = arith.constant 0 : i32
    %c0_i32_1 = arith.constant 0 : i32
    return %c0_i32, %c0_i32_0 : i32, i32
  }
  func.func @transform_11(%arg0: i32) -> (i32, i32) {
    %c0_i32 = arith.constant 0 : i32
    %c0_i32_0 = arith.constant 0 : i32
    %c0_i32_1 = arith.constant 0 : i32
    return %c0_i32, %c0_i32_0 : i32, i32
  }
  func.func @transform_12(%arg0: i32) -> (i32, i32) {
    %c0_i32 = arith.constant 0 : i32
    %c0_i32_0 = arith.constant 0 : i32
    %c0_i32_1 = arith.constant 0 : i32
    return %c0_i32, %c0_i32_0 : i32, i32
  }
  func.func @transform_13(%arg0: i32) -> (i32, i32) {
    %c0_i32 = arith.constant 0 : i32
    %c0_i32_0 = arith.constant 0 : i32
    %c0_i32_1 = arith.constant 0 : i32
    return %c0_i32, %c0_i32_0 : i32, i32
  }
  func.func @transform_14(%arg0: i32) -> (i32, i32) {
    %c0_i32 = arith.constant 0 : i32
    %c0_i32_0 = arith.constant 0 : i32
    %c0_i32_1 = arith.constant 0 : i32
    return %c0_i32, %c0_i32_0 : i32, i32
  }
  func.func @transform_15(%arg0: i32) -> (i32, i32) {
    %c0_i32 = arith.constant 0 : i32
    %c0_i32_0 = arith.constant 0 : i32
    %c0_i32_1 = arith.constant 0 : i32
    return %c0_i32, %c0_i32_0 : i32, i32
  }
  func.func @transform_16(%arg0: i32) -> (i32, i32) {
    %c0_i32 = arith.constant 0 : i32
    %c0_i32_0 = arith.constant 0 : i32
    %c0_i32_1 = arith.constant 0 : i32
    return %c0_i32, %c0_i32_0 : i32, i32
  }
  func.func @transform_17(%arg0: i32) -> (i32, i32) {
    %c0_i32 = arith.constant 0 : i32
    %c0_i32_0 = arith.constant 0 : i32
    %c0_i32_1 = arith.constant 0 : i32
    return %c0_i32, %c0_i32_0 : i32, i32
  }
  func.func @transform_18(%arg0: i32) -> (i32, i32) {
    %c0_i32 = arith.constant 0 : i32
    %c0_i32_0 = arith.constant 0 : i32
    return %arg0, %c0_i32 : i32, i32
  }
  func.func @transform_19(%arg0: i32) -> (i32, i32) {
    %c0_i32 = arith.constant 0 : i32
    %c0_i32_0 = arith.constant 0 : i32
    return %arg0, %c0_i32 : i32, i32
  }
}

</mosaic_0001>

<sc_bundles>
// kernel: kernel.6.cloned.1.call-start
scs
__scs_entry_jumppad:
0x0: {  	(pc) =	sbr.rel $0x88, $3  }
0x1: {  	(tag) =	ssettag $0x0;
	lr =	simm.s32 $0x1  }
0x2: {  	[smem:$0x3F8D] =	sst lr;
	_ =	strace $0xD0000000  }
0x3: {  	_ = 	snop  }
0x4: {  	_ = 	snop  }
0x5: {  	_ = 	snop  }
0x6: {  	_ = 	snop  }
0x7: {  	_ = 	snop  }
__scs_overlays_trampoline_lowered:
0x8: {  	[smem:$0x3F9C] =	sst s0  }
0x9: {  	[smem:$0x3F9D] =	sst s1  }
0xa: {  	[smem:$0x3F9E] =	sst s2  }
0xb: {  	[smem:$0x3F9F] =	sst s3  }
0xc: {  	[smem:$0x3FA0] =	sst s4  }
0xd: {  	[smem:$0x3FA1] =	sst s5  }
0xe: {  	[smem:$0x3FA2] =	sst s6  }
0xf: {  	[smem:$0x3FA3] =	sst s7  }
0x10: {  	[smem:$0x3FA4] =	sst s8  }
0x11: {  	[smem:$0x3FA5] =	sst s9;
	s0 =	simm.s32 @!p0 $0x0  }
0x12: {  	s1 =	sld [smem:$0x3F8B];
	s0 =	simm.s32 @p0 $0x1  }
0x13: {  	[smem:$0x3FA6] =	sst s0;
	s0 =	simm.s32 @!p1 $0x0  }
0x14: {  	s2 =	sld [smem:$0x3F8A];
	s0 =	simm.s32 @p1 $0x1  }
0x15: {  	[smem:$0x3FA7] =	sst s0;
	s0 =	simm.s32 @!p2 $0x0  }
0x16: {  	s3 =	sld [smem:$0x3FDB];
	s0 =	simm.s32 @p2 $0x1  }
0x17: {  	s4 =	simm.s32 $0x1BF5;
	[smem:$0x3FA9] =	sst s0  }
0x18: {  	s0 =	sld [smem:$0x3F8C];
	_ =	swait.ge [sflag:s4], $0x0  }
0x19: {  	s7 =	sld [smem:$0x3F8D]  }
0x1a: {  	s8 =	sadd.s32 $0xFFFFE003, lr  }
0x1b: {  	s9 =	sadd.s32 $0xFFFFFEF7, lr;
	s5 =	simm.s32 $0xFFFFFFFF;
	p2 =	slt.u32 s8, $0xFFFFF086  }
0x1c: {  	p1 =	slt.u32 s9, $0xF7A;
	s5 =	simm.s32 @!p2 $0x0  }
0x1d: {  	s5 =	simm.s32 @p1 $0x1;
	p0 =	seq.s32 s7, s2  }
0x1e: {  	s7 =	smul.u32 @!p0 $0xF7A, s2;
	p2 =	seq.s32 @!p0 s5, $0x0  }
0x1f: {  	s9 =	smul.u32 $0xF7A, s1;
	s8 =	simm.s32 @!p0 $0x1BF5;
	p2 =	por !p2, p0  }
0x20: {  	[sflag:s8] =	ssyncset.s32 @!p0 $0xFFFFF086;
	s6 =	sadd.s32 @!p0 s3, s7;
	s7 =	simm.s32 @!p0 $0x108  }
0x21: {  	s3 =	sadd.s32 s3, s9;
	s6 =	sadd.s32 @!p0 $0x88, s6;
	s7 =	simm.s32 @p2 $0x1082  }
0x22: {  	[simem:s7], [sflag:s8] =	dma.local @!p0 [hbm:s6], $0xF7A  }
0x23: {  	s9 =	sor.u32 $0xD0000000, s2;
	s6 =	simm.s32 $0x108;
	_ =	swait.ge @!p0 [sflag:s8], $0x0  }
0x24: {  	s3 =	sadd.s32 $0x88, s3;
	s6 =	simm.s32 @!p1 $0x1082;
	[sflag:s4] =	ssyncset.s32 $0xFFFFF086  }
0x25: {  	[simem:s6], [sflag:s4] =	dma.local [hbm:s3], $0xF7A  }
0x26: {  	[smem:$0x3F8D] =	sst s1;
	(tag) =	ssettag s2;
	_ =	strace s9  }
0x27: {  	s1 =	sld [smem:$0x3F9D]  }
0x28: {  	s2 =	sld [smem:$0x3F9E]  }
0x29: {  	s4 =	sld [smem:$0x3FA0]  }
0x2a: {  	p0 =	seq.s32 s5, $0x0;
	s5 =	sld [smem:$0x3FA1]  }
0x2b: {  	s6 =	sld [smem:$0x3FA2]  }
0x2c: {  	s7 =	sld [smem:$0x3FA3]  }
0x2d: {  	s3 =	simm.s32 $0x108;
	s8 =	sld [smem:$0x3FA4]  }
0x2e: {  	s3 =	simm.s32 @!p0 $0x1082;
	s9 =	sld [smem:$0x3FA5]  }
0x2f: {  	lr =	sadd.s32 s0, s3;
	s0 =	sld [smem:$0x3F9C]  }
0x30: {  	s3 =	sld [smem:$0x3F9F]  }
0x31: {  	[smem:$0x3FA8] =	sst s10  }
0x32: {  	s10 =	sld [smem:$0x3FA6];
	_ =	sdelay $0x3  }
0x33: {  	p0 =	seq.s32 s10, $0x1;
	s10 =	sld [smem:$0x3FA8];
	_ =	sdelay $0x3  }
0x34: {  	[smem:$0x3FA8] =	sst s10  }
0x35: {  	s10 =	sld [smem:$0x3FA7];
	_ =	sdelay $0x3  }
0x36: {  	p1 =	seq.s32 s10, $0x1;
	s10 =	sld [smem:$0x3FA8];
	_ =	sdelay $0x3  }
0x37: {  	[smem:$0x3FA8] =	sst s10  }
0x38: {  	s10 =	sld [smem:$0x3FA9]  }
0x39: {  	_ = 	snop;
	(pc) =	sbr.ind lr, $3  }
0x3a: {  	_ = 	snop  }
0x3b: {  	_ = 	snop  }
0x3c: {  	p2 =	seq.s32 s10, $0x1;
	s10 =	sld [smem:$0x3FA8]  }
0x3d: {  	_ =	shalt  }
0x3e: {  	_ =	shalt  }
0x3f: {  	_ =	shalt  }
0x40: {  	_ =	shalt  }
0x41: {  	_ =	shalt  }
0x42: {  	_ =	shalt  }
0x43: {  	_ =	shalt  }
0x44: {  	_ =	shalt  }
0x45: {  	_ =	shalt  }
0x46: {  	_ =	shalt  }
0x47: {  	_ =	shalt  }
0x48: {  	_ =	shalt  }
0x49: {  	_ =	shalt  }
0x4a: {  	_ =	shalt  }
0x4b: {  	_ =	shalt  }
0x4c: {  	_ =	shalt  }
0x4d: {  	_ =	shalt  }
0x4e: {  	_ =	shalt  }
0x4f: {  	_ =	shalt  }
0x50: {  	_ =	shalt  }
0x51: {  	_ =	shalt  }
0x52: {  	_ =	shalt  }
0x53: {  	_ =	shalt  }
0x54: {  	_ =	shalt  }
0x55: {  	_ =	shalt  }
0x56: {  	_ =	shalt  }
0x57: {  	_ =	shalt  }
0x58: {  	_ =	shalt  }
0x59: {  	_ =	shalt  }
0x5a: {  	_ =	shalt  }
0x5b: {  	_ =	shalt  }
0x5c: {  	_ =	shalt  }
0x5d: {  	_ =	shalt  }
0x5e: {  	_ =	shalt  }
0x5f: {  	_ =	shalt  }
0x60: {  	_ =	shalt  }
0x61: {  	_ =	shalt  }
0x62: {  	_ =	shalt  }
0x63: {  	_ =	shalt  }
0x64: {  	_ =	shalt  }
0x65: {  	_ =	shalt  }
0x66: {  	_ =	shalt  }
0x67: {  	_ =	shalt  }
0x68: {  	_ =	shalt  }
0x69: {  	_ =	shalt  }
0x6a: {  	_ =	shalt  }
0x6b: {  	_ =	shalt  }
0x6c: {  	_ =	shalt  }
0x6d: {  	_ =	shalt  }
0x6e: {  	_ =	shalt  }
0x6f: {  	_ =	shalt  }
0x70: {  	_ =	shalt  }
0x71: {  	_ =	shalt  }
0x72: {  	_ =	shalt  }
0x73: {  	_ =	shalt  }
0x74: {  	_ =	shalt  }
0x75: {  	_ =	shalt  }
0x76: {  	_ =	shalt  }
0x77: {  	_ =	shalt  }
0x78: {  	_ =	shalt  }
0x79: {  	_ =	shalt  }
0x7a: {  	_ =	shalt  }
0x7b: {  	_ =	shalt  }
0x7c: {  	_ =	shalt  }
0x7d: {  	_ =	shalt  }
0x7e: {  	_ =	shalt  }
0x7f: {  	_ =	shalt  }
0x80: {  	_ =	shalt  }
0x81: {  	_ =	shalt  }
0x82: {  	_ =	shalt  }
0x83: {  	_ =	shalt  }
0x84: {  	_ =	shalt  }
0x85: {  	_ =	shalt  }
0x86: {  	_ =	shalt  }
0x87: {  	_ =	shalt  }
.Lfunc_end0:
.L_simem_size_0:
called_computation_lowered:
.L_overlay_start_0:
0x88: {  	s2 =	sld [smem:$0x3FD9]  }
0x89: {  	s3 =	sld [smem:$0x3FFE];
	_ =	sdelay $0x1  }
0x8a: {  	s1 =	srdreg.scid  }
0x8b: {  	s0 =	sand.u32 $0x1, s1  }
0x8c: {  	s14 =	sshll.u32 s0, $0xA;
	s2 =	sadd.s32 s3, s2  }
0x8d: {  	s2 =	sadd.s32 s2, s14  }
0x8e: {  	[smem:$0x3FB4] =	sst s2  }
0x8f: {  	_ = 	snop  }
0x90: {  	s2 =	sld [smem:$0x3FD0];
	_ =	sdelay $0x2  }
0x91: {  	s15 =	simm.s32 $0xA;
	s4 =	simm.s32 $0x10  }
0x92: {  	[smem:s4], [sflag:s15] =	dma.local [hbm:s2], $0x1  }
0x93: {  	_ =	swait.eq [sflag:s15], $0x1  }
0x94: {  	[sflag:s15] =	ssyncset.done $0x0  }
0x95: {  	[sflag:s15] =	ssyncadd.s32 $0xFFFFFFFF  }
0x96: {  	s16 =	sld [smem:$0x11];
	(tm) =	ssettm $0x1  }
0x97: {  	s17 =	sld [smem:$0x3FFB];
	_ =	sdelay $0x3  }
0x98: {  	_ =	strace s17  }
0x99: {  	s3 =	sld [smem:$0x3FFC];
	_ =	sdelay $0x3  }
0x9a: {  	_ =	strace s3  }
0x9b: {  	s3 =	sld [smem:$0x3FFD];
	_ =	sdelay $0x3  }
0x9c: {  	_ =	strace s3  }
0x9d: {  	_ =	strace $0x8FFFFFFF  }
0x9e: {  	s18 =	sld [smem:$0x3FDB];
	_ =	sdelay $0x1  }
0x9f: {  	s19 =	simm.s32 $_scs_section_size  }
0xa0: {  	s5 =	simm.s32 $_size__tile_overlayer_lowered;
	s6 =	simm.s32 $_tile_overlayer_lowered  }
0xa1: {  	s22 =	simm.s32 $0x1BFF;
	s21 =	sshll.u32 s6, $0x1;
	s3 =	sadd.s32 s19, s18  }
0xa2: {  	s7 =	simm.s32 $0x0;
	s20 =	sshll.u32 s5, $0x1;
	s5 =	sadd.s32 s21, s3  }
0xa3: {  	[timem:s7], [sflag:s22] =	dma.local [hbm:s5], s20  }
0xa4: {  	_ =	swait.ge [sflag:s22], s20  }
0xa5: {  	s4 =	ssub.s32 $0x0, s20;
	[sflag:s22] =	ssyncset.done $0x0  }
0xa6: {  	[sflag:s22] =	ssyncadd.s32 s4;
	_ =	sdelay $0x1  }
0xa7: {  	s23 =	simm.s32 $0x1B8B  }
0xa8: {  	_ =	swait.ge [sflag:s23], $0x1  }
0xa9: {  	[sflag:s23] =	ssyncset.done $0x0  }
0xaa: {  	s25 =	simm.s32 $0x1B8E;
	s24 =	sld [smem:$0x3FFE];
	[sflag:s23] =	ssyncadd.s32 $0xFFFFFFFF  }
0xab: {  	s26 =	simm.s32 $execute0_lowered;
	[smem:$0x3FD2] =	sst s25  }
0xac: {  	s5 =	sshll.u32 s26, $0x1;
	_ =	strace $0x80000046;
	[dreg:$0x1] =	wrdreg $0xFFFFFFFF  }
0xad: {  	s28 =	simm.s32 $_size_execute0_lowered;
	s3 =	sadd.s32 s3, s5;
	[dreg:$0x0] =	wrdreg $0x0  }
0xae: {  	s5 =	sshll.u32 s28, $0x1;
	[dreg:$0x2] =	wrdreg s3  }
0xaf: {  	[dreg:$0x3] =	wrdreg s5  }
0xb0: {  	[dreg:$0x4] =	wrdreg $0xC0  }
0xb1: {  	_ =	task [dreg:s7], $0x5FFFF  }
0xb2: {  	[dreg:$0x1] =	wrdreg $0xFFFFFFFF  }
0xb3: {  	[dreg:$0x0] =	wrdreg $0x60  }
0xb4: {  	[dreg:$0x2] =	wrdreg s24  }
0xb5: {  	[dreg:$0x3] =	wrdreg s16  }
0xb6: {  	[dreg:$0x4] =	wrdreg $0x9  }
0xb7: {  	_ =	task.clear_ibuf [dreg:s7], $0x5FFFF;
	_ =	strace $0x90000046  }
0xb8: {  	s29 =	simm.s32 $0x9;
	_ =	strace $0x80000048  }
0xb9: {  	_ =	swait.ge [sflag:s29], $0x1  }
0xba: {  	[sflag:s29] =	ssyncadd.s32 $0xFFFFFFFF  }
0xbb: {  	_ =	strace $0x90000048  }
0xbc: {  	_ =	sfence  }
0xbd: {  	s30 =	sld [smem:$0x0];
	_ =	sdelay $0x2  }
0xbe: {  	s31 =	sshll.u32 s1, $0xD;
	s1 =	sshrl.u32 s1, $0x2  }
0xbf: {  	s3 =	sand.u32 $0x4000, s31;
	s1 =	sadd.s32 s1, s30  }
0xc0: {  	s0 =	sor.u32 s3, s0;
	s1 =	sshll.u32 s1, $0x11  }
0xc1: {  	s0 =	sor.u32 s1, s0  }
0xc2: {  	s0 =	sadd.s32 $0x8F2B, s0  }
0xc3: {  	[sflag:s0] =	ssyncadd.remote.s32 $0x1  }
0xc4: {  	_ =	sfence.sel $0xFFFF  }
0xc5: {  	[dreg:$0x0] =	wrdreg $0xFFFFFFFF;
	(pc) =	sbr.abs _section_cstart, $3  }
0xc6: {  	[dreg:$0x1] =	wrdreg $0xFFFFFFFF  }
0xc7: {  	_ =	task.clear_ibuf [dreg:s7], $0x2FFFF;
	_ =	strace $0x9FFFFFFF  }
0xc8: {  	(tm) =	ssettm $0x7FFFFFFF  }
0xc9: {  	_ =	shalt  }
tec
execute0_lowered:
.L_overlay_start_1:
0x0: {  	(tag) =	ssettag $0x1  }
0x1: {  	s0 =	srdreg.scid;
	s1 =	rddreg [dreg:$0x0]  }
0x2: {  	s15 =	stileid.u32;
	s6 =	rddreg [dreg:$0x1]  }
0x3: {  	s16 =	simm.s32 $0x4E20;
	s17 =	simm.s32 $0x10E20;
	s18 =	simm.s32 $0xAE20  }
0x4: {  	s19 =	simm.s32 $0x11620;
	s20 =	simm.s32 $0x1;
	s13 =	smul.u32 $0x4E20, s15  }
0x5: {  	s21 =	simm.s32 $0x3;
	s22 =	simm.s32 $0x2;
	s28 =	smul.u32 $0x75300, s15  }
0x6: {  	s29 =	simm.s32 $0x12A20;
	s0 =	sand.u32 $0x1, s0;
	s31 =	smul.u32 $0x9C40, s15  }
0x7: {  	s30 =	simm.s32 $0x0;
	s2 =	sshll.u32 s15, $0x1;
	s26 =	smul.u32 $0x2710, s0  }
0x8: {  	s4 =	sadd.s32 $0x4B000, s1;
	s10 =	sadd.s32 $0x50000, s1;
	s14 =	smul.u32 $0x3A980, s0  }
0x9: {  	s3 =	sor.u32 s0, s2;
	s9 =	ssub.s32 $0x2, s0;
	s0 =	smul.u32 $0x4E20, s0  }
0xa: {  	s15 =	simm.s32 $0x80;
	s2 =	simm.s32 $0x0;
	s5 =	smul.u32 $0x2710, s3  }
0xb: {  	[smem:$0x7FF] =	sst s2;
	s3 =	sadd.s32 $0x6800, s1;
	s23 =	sshrl.u32 s9, $0x1  }
0xc: {  	_ =	strace $0x80000047;
	s9 =	ssub.s32 s9, s23;
	s23 =	simm.s32 $0x4  }
0xd: {  	s7 =	sshrl.u32 s5, $0x3;
	s11 =	sadd.s32 $0x2700, s5;
	s9 =	smax.u32 s9, $0x1  }
0xe: {  	s8 =	sadd.s32 s7, s1;
	s1 =	sadd.s32 $0x7A3000, s1;
	s12 =	smul.u32 $0x18, s11  }
0xf: {  	s6 =	sadd.s32 s6, s7;
	s25 =	sshll.u32 s11, $0x1;
	s11 =	sadd.s32 s26, s13  }
0x10: {  	s13 =	simm.s32 $0x5;
	s26 =	simm.s32 $0x11E20;
	s24 =	sadd.s32 $0x41200, s8  }
0x11: {  	s8 =	sadd.s32 s1, s25;
	s11 =	sshll.u32 s11, $0x1;
	[dreg:$0x3] =	wrdreg s24  }
0x12: {  	s7 =	sadd.s32 s10, s12;
	s10 =	sadd.s32 s28, s10;
	s11 =	sadd.s32 s1, s11  }
0x13: {  	s1 =	sadd.s32 s31, s1;
	s24 =	simm.s32 $0x10;
	s10 =	sadd.s32 s14, s10  }
0x14: {  	s11 =	sadd.s32 $0x100, s11;
	s12 =	sadd.s32 s0, s1;
	s10 =	sadd.s32 $0xC00, s10  }
.LBB2_1:
0x15: {  	s0 =	rddreg [dreg:$0x3]  }
0x16: {  	[tilespmem:s2], [sflag:$0x5] =	stream.linear.gather [hbm4b:s0+s2], $0x2710, $0x38;
	[tilespmem:$0x12B20] =	vst v63  }
0x17: {  	_ =	swait.ge [sflag:s13], $0x2710  }
0x18: {  	[sflag:s13] =	ssyncset.done $0x0  }
0x19: {  	s28 =	simm.s32 $0x2710;
	[sflag:s13] =	ssyncadd.s32 $0xFFFFD8F0  }
0x1a: {  	[tilespmem:s28], [sflag:$0x5] =	stream.linear.gather [hbm4b:s6+s2], $0x2710, $0x38;
	[tilespmem:$0x12B20] =	vst v63  }
0x1b: {  	_ =	swait.ge [sflag:s13], $0x2710  }
0x1c: {  	[sflag:s13] =	ssyncset.done $0x0  }
0x1d: {  	s1 =	simm.s32 $0x0;
	[sflag:s13] =	ssyncadd.s32 $0xFFFFD8F0  }
0x1e: {  	[tilespmem:s16], [sflag:$0x1] =	stream.indirect.gather [hbm4b:s3+s15], $0xC0, s1, s15, $0xb8;
	[tilespmem:$0x12B20] =	vst v63  }
0x1f: {  	s5 =	simm.s32 $0x2710  }
0x20: {  	[tilespmem:s17], [sflag:$0x3] =	stream.indirect.gather [hbm4b:s4+s15], $0x10, s5, s15, $0xb8;
	[tilespmem:$0x12B20] =	vst v63  }
0x21: {  	s14 =	simm.s32 $0x80  }
0x22: {  	[tilespmem:s18], [sflag:$0x2] =	stream.indirect.gather [hbm4b:s3+s15], $0xC0, s14, s15, $0xb8;
	[tilespmem:$0x12B20] =	vst v63  }
0x23: {  	s25 =	simm.s32 $0x2790  }
0x24: {  	[tilespmem:s19], [sflag:$0x4] =	stream.indirect.gather [hbm4b:s4+s15], $0x10, s25, s15, $0xb8;
	[tilespmem:$0x12B20] =	vst v63  }
0x25: {  	_ =	swait.ge [sflag:s20], $0x6000  }
0x26: {  	[sflag:s20] =	ssyncset.done $0x0  }
0x27: {  	s28 =	sadd.s32 $0xFFFFF400, s10;
	[sflag:s20] =	ssyncadd.s32 $0xFFFFA000  }
0x28: {  	[hbm4b:s28+s2] =	stream.linear.scatter [tilespmem:s16], [sflag:$0x5], $0x6000, $0x38;
	[tilespmem:$0x12B20] =	vst v63  }
0x29: {  	_ =	swait.ge [sflag:s13], $0x6000  }
0x2a: {  	[sflag:s13] =	ssyncset.done $0x0  }
0x2b: {  	[sflag:s13] =	ssyncadd.s32 $0xFFFFA000  }
0x2c: {  	_ =	swait.ge [sflag:s21], $0x800  }
0x2d: {  	[sflag:s21] =	ssyncset.done $0x0  }
0x2e: {  	[sflag:s21] =	ssyncadd.s32 $0xFFFFF800  }
0x2f: {  	[hbm4b:s12+s2] =	stream.linear.scatter [tilespmem:s17], [sflag:$0x5], $0x800, $0x38;
	[tilespmem:$0x12B20] =	vst v63  }
0x30: {  	_ =	swait.ge [sflag:s13], $0x800  }
0x31: {  	[sflag:s13] =	ssyncset.done $0x0  }
0x32: {  	[sflag:s13] =	ssyncadd.s32 $0xFFFFF800  }
0x33: {  	_ =	swait.ge [sflag:s22], $0x6000  }
0x34: {  	[sflag:s22] =	ssyncset.done $0x0  }
0x35: {  	[sflag:s22] =	ssyncadd.s32 $0xFFFFA000  }
0x36: {  	[hbm4b:s10+s2] =	stream.linear.scatter [tilespmem:s18], [sflag:$0x5], $0x6000, $0x38;
	[tilespmem:$0x12B20] =	vst v63  }
0x37: {  	_ =	swait.ge [sflag:s13], $0x6000  }
0x38: {  	[sflag:s13] =	ssyncset.done $0x0  }
0x39: {  	[sflag:s13] =	ssyncadd.s32 $0xFFFFA000  }
0x3a: {  	_ =	swait.ge [sflag:s23], $0x800  }
0x3b: {  	[sflag:s23] =	ssyncset.done $0x0  }
0x3c: {  	s31 =	sadd.s32 $0x200, s11;
	[sflag:s23] =	ssyncadd.s32 $0xFFFFF800  }
0x3d: {  	[hbm4b:s11+s2] =	stream.linear.scatter [tilespmem:s19], [sflag:$0x5], $0x800, $0x38;
	[tilespmem:$0x12B20] =	vst v63  }
0x3e: {  	s0 =	sadd.s32 $0x200, s12;
	s1 =	sadd.s32 $0x1800, s10;
	_ =	swait.ge [sflag:s13], $0x800  }
0x3f: {  	s14 =	simm.s32 $0x400;
	s25 =	simm.s32 $0x800;
	[sflag:s13] =	ssyncset.done $0x0  }
.LBB2_2:
0x40: {  	s5 =	sshra.s32 s14, $0x2  }
0x41: {  	[sflag:s13] =	ssyncadd.s32 $0xFFFFF800;
	s14 =	smov.u32 s25;
	s28 =	sadd.s32 $0x400, s25  }
0x42: {  	[tilespmem:s16], [sflag:$0x1] =	stream.indirect.gather [hbm4b:s3+s15], $0xC0, s5, s15, $0xb8;
	[tilespmem:$0x12B20] =	vst v63  }
0x43: {  	p0 =	sne.s32 s25, $0x9800;
	s25 =	sadd.s32 $0x2710, s5  }
0x44: {  	[tilespmem:s17], [sflag:$0x3] =	stream.indirect.gather [hbm4b:s4+s15], $0x10, s25, s15, $0xb8;
	[tilespmem:$0x12B20] =	vst v63  }
0x45: {  	s25 =	sadd.s32 $0x80, s5  }
0x46: {  	[tilespmem:s18], [sflag:$0x2] =	stream.indirect.gather [hbm4b:s3+s15], $0xC0, s25, s15, $0xb8;
	[tilespmem:$0x12B20] =	vst v63  }
0x47: {  	s5 =	sadd.s32 $0x2790, s5  }
0x48: {  	[tilespmem:s19], [sflag:$0x4] =	stream.indirect.gather [hbm4b:s4+s15], $0x10, s5, s15, $0xb8;
	[tilespmem:$0x12B20] =	vst v63  }
0x49: {  	_ =	swait.ge [sflag:s20], $0x6000  }
0x4a: {  	[sflag:s20] =	ssyncset.done $0x0  }
0x4b: {  	s5 =	sadd.s32 $0xFFFFF400, s1;
	[sflag:s20] =	ssyncadd.s32 $0xFFFFA000  }
0x4c: {  	[hbm4b:s5+s2] =	stream.linear.scatter [tilespmem:s16], [sflag:$0x5], $0x6000, $0x38;
	[tilespmem:$0x12B20] =	vst v63  }
0x4d: {  	_ =	swait.ge [sflag:s13], $0x6000  }
0x4e: {  	[sflag:s13] =	ssyncset.done $0x0  }
0x4f: {  	[sflag:s13] =	ssyncadd.s32 $0xFFFFA000  }
0x50: {  	_ =	swait.ge [sflag:s21], $0x800  }
0x51: {  	[sflag:s21] =	ssyncset.done $0x0  }
0x52: {  	[sflag:s21] =	ssyncadd.s32 $0xFFFFF800  }
0x53: {  	[hbm4b:s0+s2] =	stream.linear.scatter [tilespmem:s17], [sflag:$0x5], $0x800, $0x38;
	[tilespmem:$0x12B20] =	vst v63  }
0x54: {  	_ =	swait.ge [sflag:s13], $0x800  }
0x55: {  	[sflag:s13] =	ssyncset.done $0x0  }
0x56: {  	[sflag:s13] =	ssyncadd.s32 $0xFFFFF800  }
0x57: {  	_ =	swait.ge [sflag:s22], $0x6000  }
0x58: {  	[sflag:s22] =	ssyncset.done $0x0  }
0x59: {  	[sflag:s22] =	ssyncadd.s32 $0xFFFFA000  }
0x5a: {  	[hbm4b:s1+s2] =	stream.linear.scatter [tilespmem:s18], [sflag:$0x5], $0x6000, $0x38;
	[tilespmem:$0x12B20] =	vst v63  }
0x5b: {  	_ =	swait.ge [sflag:s13], $0x6000  }
0x5c: {  	[sflag:s13] =	ssyncset.done $0x0  }
0x5d: {  	[sflag:s13] =	ssyncadd.s32 $0xFFFFA000  }
0x5e: {  	_ =	swait.ge [sflag:s23], $0x800  }
.Ltmp0:
0x5f: {  	[sflag:s23] =	ssyncset.done $0x0;
	(pc) =	sbr.rel @p0 .LBB2_2-.Ltmp0, $4  }
0x60: {  	[sflag:s23] =	ssyncadd.s32 $0xFFFFF800  }
0x61: {  	[hbm4b:s31+s2] =	stream.linear.scatter [tilespmem:s19], [sflag:$0x5], $0x800, $0x38;
	[tilespmem:$0x12B20] =	vst v63  }
0x62: {  	s25 =	smov.u32 s28;
	s0 =	sadd.s32 $0x200, s0;
	_ =	swait.ge [sflag:s13], $0x800  }
0x63: {  	s1 =	sadd.s32 $0x1800, s1;
	s31 =	sadd.s32 $0x200, s31;
	[sflag:s13] =	ssyncset.done $0x0  }
0x64: {  	s5 =	sshra.s32 s14, $0x2;
	[sflag:s13] =	ssyncadd.s32 $0xFFFFF800  }
0x65: {  	[tilespmem:s16], [sflag:$0x1] =	stream.indirect.gather [hbm4b:s3+s15], $0xC0, s5, s15, $0xb8;
	[tilespmem:$0x12B20] =	vst v63  }
0x66: {  	s14 =	sadd.s32 $0x2710, s5  }
0x67: {  	[tilespmem:s17], [sflag:$0x3] =	stream.indirect.gather [hbm4b:s4+s15], $0x10, s14, s15, $0xb8;
	[tilespmem:$0x12B20] =	vst v63  }
0x68: {  	s28 =	sadd.s32 $0x80, s5  }
0x69: {  	[tilespmem:s18], [sflag:$0x2] =	stream.indirect.gather [hbm4b:s3+s15], $0xC0, s28, s15, $0xb8;
	[tilespmem:$0x12B20] =	vst v63  }
0x6a: {  	s5 =	sadd.s32 $0x2790, s5  }
0x6b: {  	[tilespmem:s19], [sflag:$0x4] =	stream.indirect.gather [hbm4b:s4+s15], $0x10, s5, s15, $0xb8;
	[tilespmem:$0x12B20] =	vst v63  }
0x6c: {  	_ =	swait.ge [sflag:s20], $0x6000  }
0x6d: {  	[sflag:s20] =	ssyncset.done $0x0  }
0x6e: {  	s25 =	sadd.s32 $0xFFFFF400, s1;
	[sflag:s20] =	ssyncadd.s32 $0xFFFFA000  }
0x6f: {  	[hbm4b:s25+s2] =	stream.linear.scatter [tilespmem:s16], [sflag:$0x5], $0x6000, $0x38;
	[tilespmem:$0x12B20] =	vst v63  }
0x70: {  	_ =	swait.ge [sflag:s13], $0x6000  }
0x71: {  	[sflag:s13] =	ssyncset.done $0x0  }
0x72: {  	[sflag:s13] =	ssyncadd.s32 $0xFFFFA000  }
0x73: {  	_ =	swait.ge [sflag:s21], $0x800  }
0x74: {  	[sflag:s21] =	ssyncset.done $0x0  }
0x75: {  	[sflag:s21] =	ssyncadd.s32 $0xFFFFF800  }
0x76: {  	[hbm4b:s0+s2] =	stream.linear.scatter [tilespmem:s17], [sflag:$0x5], $0x800, $0x38;
	[tilespmem:$0x12B20] =	vst v63  }
0x77: {  	_ =	swait.ge [sflag:s13], $0x800  }
0x78: {  	[sflag:s13] =	ssyncset.done $0x0  }
0x79: {  	[sflag:s13] =	ssyncadd.s32 $0xFFFFF800  }
0x7a: {  	_ =	swait.ge [sflag:s22], $0x6000  }
0x7b: {  	[sflag:s22] =	ssyncset.done $0x0  }
0x7c: {  	[sflag:s22] =	ssyncadd.s32 $0xFFFFA000  }
0x7d: {  	[hbm4b:s1+s2] =	stream.linear.scatter [tilespmem:s18], [sflag:$0x5], $0x6000, $0x38;
	[tilespmem:$0x12B20] =	vst v63  }
0x7e: {  	_ =	swait.ge [sflag:s13], $0x6000  }
0x7f: {  	[sflag:s13] =	ssyncset.done $0x0  }
0x80: {  	[sflag:s13] =	ssyncadd.s32 $0xFFFFA000  }
0x81: {  	_ =	swait.ge [sflag:s23], $0x800  }
0x82: {  	[sflag:s23] =	ssyncset.done $0x0  }
0x83: {  	[sflag:s23] =	ssyncadd.s32 $0xFFFFF800  }
0x84: {  	[hbm4b:s31+s2] =	stream.linear.scatter [tilespmem:s19], [sflag:$0x5], $0x800, $0x38;
	[tilespmem:$0x12B20] =	vst v63  }
0x85: {  	_ =	swait.ge [sflag:s13], $0x800  }
0x86: {  	[sflag:s13] =	ssyncset.done $0x0  }
0x87: {  	s28 =	simm.s32 $0x2700;
	[sflag:s13] =	ssyncadd.s32 $0xFFFFF800  }
0x88: {  	[tilespmem:s26], [sflag:$0x1] =	stream.indirect.gather [hbm4b:s3+s24], $0xC0, s28, s24, $0xb8;
	[tilespmem:$0x12B20] =	vst v63  }
0x89: {  	_ =	swait.ge [sflag:s20], $0xC00  }
0x8a: {  	[sflag:s20] =	ssyncset.done $0x0  }
0x8b: {  	[sflag:s20] =	ssyncadd.s32 $0xFFFFF400  }
0x8c: {  	[hbm4b:s7+s2] =	stream.linear.scatter [tilespmem:s26], [sflag:$0x5], $0xC00, $0x38;
	[tilespmem:$0x12B20] =	vst v63  }
0x8d: {  	_ =	swait.ge [sflag:s13], $0xC00  }
0x8e: {  	[sflag:s13] =	ssyncset.done $0x0  }
0x8f: {  	s31 =	simm.s32 $0x4E10;
	[sflag:s13] =	ssyncadd.s32 $0xFFFFF400  }
0x90: {  	[tilespmem:s29], [sflag:$0x3] =	stream.indirect.gather [hbm4b:s4+s24], $0x10, s31, s24, $0xb8;
	[tilespmem:$0x12B20] =	vst v63  }
0x91: {  	s30 =	sadd.s32 $0x1, s30;
	_ =	swait.ge [sflag:s21], $0x100  }
0x92: {  	p0 =	sne.s32 s30, s9;
	[sflag:s21] =	ssyncset.done $0x0  }
.Ltmp1:
0x93: {  	[sflag:s21] =	ssyncadd.s32 $0xFFFFFF00;
	(pc) =	sbr.rel @p0 .LBB2_1-.Ltmp1, $4  }
0x94: {  	[hbm4b:s8+s2] =	stream.linear.scatter [tilespmem:s29], [sflag:$0x5], $0x100, $0x38;
	[tilespmem:$0x12B20] =	vst v63  }
0x95: {  	_ =	swait.ge [sflag:s13], $0x100  }
0x96: {  	[sflag:s13] =	ssyncset.done $0x0  }
0x97: {  	[sflag:s13] =	ssyncadd.s32 $0xFFFFFF00  }
0x98: {  	_ =	sfence.sel $0x180000  }
0x99: {  	[bflag:$0x0] =	sbarrier.arrive $0xFFFF  }
0x9a: {  	_ =	strace $0x90000047  }
0x9b: {  	s0 =	stileid.u32;
	[bflag:$0x2] =	sbarrier.arrive $0xFFFF  }
0x9c: {  	p0 =	sne.s32 s0, $0x0;
	s0 =	rddreg [dreg:$0x2]  }
0x9d: {  	s0 =	sadd.s32 @!p0 $0x100000, s0  }
0x9e: {  	[sflag:s0] =	ssyncadd.tile.s32 @!p0 $0x1;
	_ =	shalt  }
.Lfunc_end2:
_tile_overlayer_lowered:
.L_overlay_start_2:
0x9f: {  	(tag) =	ssettag $0x2  }
0xa0: {  	s0 =	rddreg [dreg:$0x0];
	s2 =	stileid.u32  }
0xa1: {  	s1 =	rddreg [dreg:$0x1];
	p0 =	sne.s32 s2, $0x0  }
0xa2: {  	s3 =	rddreg [dreg:$0x2];
	[bflag:$0x3] =	sbarrier.arrive $0xFFFF;
	s2 =	simm.s32 @!p0 $0x1C05  }
0xa3: {  	[timem:s3], [sflag:s2] =	dma.local @!p0 [hbm:s0], s1  }
0xa4: {  	s0 =	simm.s32 @!p0 $0x5  }
0xa5: {  	_ =	swait.ge @!p0 [sflag:s0], s1  }
0xa6: {  	s1 =	ssub.s32 @!p0 $0x0, s1;
	[sflag:s0] =	ssyncset.done @!p0 $0x0  }
0xa7: {  	[sflag:s0] =	ssyncadd.s32 @!p0 s1  }
0xa8: {  	[bflag:$0x3] =	sbarrier.arrive $0xFFFF  }
0xa9: {  	_ =	shalt  }

// kernel: kernel.9.cloned.1.call-start
scs
__scs_entry_jumppad:
0x0: {  	(pc) =	sbr.rel $0x88, $3  }
0x1: {  	(tag) =	ssettag $0x0;
	lr =	simm.s32 $0x1  }
0x2: {  	[smem:$0x3F8D] =	sst lr;
	_ =	strace $0xD0000000  }
0x3: {  	_ = 	snop  }
0x4: {  	_ = 	snop  }
0x5: {  	_ = 	snop  }
0x6: {  	_ = 	snop  }
0x7: {  	_ = 	snop  }
__scs_overlays_trampoline_lowered:
0x8: {  	[smem:$0x3F9C] =	sst s0  }
0x9: {  	[smem:$0x3F9D] =	sst s1  }
0xa: {  	[smem:$0x3F9E] =	sst s2  }
0xb: {  	[smem:$0x3F9F] =	sst s3  }
0xc: {  	[smem:$0x3FA0] =	sst s4  }
0xd: {  	[smem:$0x3FA1] =	sst s5  }
0xe: {  	[smem:$0x3FA2] =	sst s6  }
0xf: {  	[smem:$0x3FA3] =	sst s7  }
0x10: {  	[smem:$0x3FA4] =	sst s8  }
0x11: {  	[smem:$0x3FA5] =	sst s9;
	s0 =	simm.s32 @!p0 $0x0  }
0x12: {  	s1 =	sld [smem:$0x3F8B];
	s0 =	simm.s32 @p0 $0x1  }
0x13: {  	[smem:$0x3FA6] =	sst s0;
	s0 =	simm.s32 @!p1 $0x0  }
0x14: {  	s2 =	sld [smem:$0x3F8A];
	s0 =	simm.s32 @p1 $0x1  }
0x15: {  	[smem:$0x3FA7] =	sst s0;
	s0 =	simm.s32 @!p2 $0x0  }
0x16: {  	s3 =	sld [smem:$0x3FDB];
	s0 =	simm.s32 @p2 $0x1  }
0x17: {  	s4 =	simm.s32 $0x1BF5;
	[smem:$0x3FA9] =	sst s0  }
0x18: {  	s0 =	sld [smem:$0x3F8C];
	_ =	swait.ge [sflag:s4], $0x0  }
0x19: {  	s7 =	sld [smem:$0x3F8D]  }
0x1a: {  	s8 =	sadd.s32 $0xFFFFE003, lr  }
0x1b: {  	s9 =	sadd.s32 $0xFFFFFEF7, lr;
	s5 =	simm.s32 $0xFFFFFFFF;
	p2 =	slt.u32 s8, $0xFFFFF086  }
0x1c: {  	p1 =	slt.u32 s9, $0xF7A;
	s5 =	simm.s32 @!p2 $0x0  }
0x1d: {  	s5 =	simm.s32 @p1 $0x1;
	p0 =	seq.s32 s7, s2  }
0x1e: {  	s7 =	smul.u32 @!p0 $0xF7A, s2;
	p2 =	seq.s32 @!p0 s5, $0x0  }
0x1f: {  	s9 =	smul.u32 $0xF7A, s1;
	s8 =	simm.s32 @!p0 $0x1BF5;
	p2 =	por !p2, p0  }
0x20: {  	[sflag:s8] =	ssyncset.s32 @!p0 $0xFFFFF086;
	s6 =	sadd.s32 @!p0 s3, s7;
	s7 =	simm.s32 @!p0 $0x108  }
0x21: {  	s3 =	sadd.s32 s3, s9;
	s6 =	sadd.s32 @!p0 $0x88, s6;
	s7 =	simm.s32 @p2 $0x1082  }
0x22: {  	[simem:s7], [sflag:s8] =	dma.local @!p0 [hbm:s6], $0xF7A  }
0x23: {  	s9 =	sor.u32 $0xD0000000, s2;
	s6 =	simm.s32 $0x108;
	_ =	swait.ge @!p0 [sflag:s8], $0x0  }
0x24: {  	s3 =	sadd.s32 $0x88, s3;
	s6 =	simm.s32 @!p1 $0x1082;
	[sflag:s4] =	ssyncset.s32 $0xFFFFF086  }
0x25: {  	[simem:s6], [sflag:s4] =	dma.local [hbm:s3], $0xF7A  }
0x26: {  	[smem:$0x3F8D] =	sst s1;
	(tag) =	ssettag s2;
	_ =	strace s9  }
0x27: {  	s1 =	sld [smem:$0x3F9D]  }
0x28: {  	s2 =	sld [smem:$0x3F9E]  }
0x29: {  	s4 =	sld [smem:$0x3FA0]  }
0x2a: {  	p0 =	seq.s32 s5, $0x0;
	s5 =	sld [smem:$0x3FA1]  }
0x2b: {  	s6 =	sld [smem:$0x3FA2]  }
0x2c: {  	s7 =	sld [smem:$0x3FA3]  }
0x2d: {  	s3 =	simm.s32 $0x108;
	s8 =	sld [smem:$0x3FA4]  }
0x2e: {  	s3 =	simm.s32 @!p0 $0x1082;
	s9 =	sld [smem:$0x3FA5]  }
0x2f: {  	lr =	sadd.s32 s0, s3;
	s0 =	sld [smem:$0x3F9C]  }
0x30: {  	s3 =	sld [smem:$0x3F9F]  }
0x31: {  	[smem:$0x3FA8] =	sst s10  }
0x32: {  	s10 =	sld [smem:$0x3FA6];
	_ =	sdelay $0x3  }
0x33: {  	p0 =	seq.s32 s10, $0x1;
	s10 =	sld [smem:$0x3FA8];
	_ =	sdelay $0x3  }
0x34: {  	[smem:$0x3FA8] =	sst s10  }
0x35: {  	s10 =	sld [smem:$0x3FA7];
	_ =	sdelay $0x3  }
0x36: {  	p1 =	seq.s32 s10, $0x1;
	s10 =	sld [smem:$0x3FA8];
	_ =	sdelay $0x3  }
0x37: {  	[smem:$0x3FA8] =	sst s10  }
0x38: {  	s10 =	sld [smem:$0x3FA9]  }
0x39: {  	_ = 	snop;
	(pc) =	sbr.ind lr, $3  }
0x3a: {  	_ = 	snop  }
0x3b: {  	_ = 	snop  }
0x3c: {  	p2 =	seq.s32 s10, $0x1;
	s10 =	sld [smem:$0x3FA8]  }
0x3d: {  	_ =	shalt  }
0x3e: {  	_ =	shalt  }
0x3f: {  	_ =	shalt  }
0x40: {  	_ =	shalt  }
0x41: {  	_ =	shalt  }
0x42: {  	_ =	shalt  }
0x43: {  	_ =	shalt  }
0x44: {  	_ =	shalt  }
0x45: {  	_ =	shalt  }
0x46: {  	_ =	shalt  }
0x47: {  	_ =	shalt  }
0x48: {  	_ =	shalt  }
0x49: {  	_ =	shalt  }
0x4a: {  	_ =	shalt  }
0x4b: {  	_ =	shalt  }
0x4c: {  	_ =	shalt  }
0x4d: {  	_ =	shalt  }
0x4e: {  	_ =	shalt  }
0x4f: {  	_ =	shalt  }
0x50: {  	_ =	shalt  }
0x51: {  	_ =	shalt  }
0x52: {  	_ =	shalt  }
0x53: {  	_ =	shalt  }
0x54: {  	_ =	shalt  }
0x55: {  	_ =	shalt  }
0x56: {  	_ =	shalt  }
0x57: {  	_ =	shalt  }
0x58: {  	_ =	shalt  }
0x59: {  	_ =	shalt  }
0x5a: {  	_ =	shalt  }
0x5b: {  	_ =	shalt  }
0x5c: {  	_ =	shalt  }
0x5d: {  	_ =	shalt  }
0x5e: {  	_ =	shalt  }
0x5f: {  	_ =	shalt  }
0x60: {  	_ =	shalt  }
0x61: {  	_ =	shalt  }
0x62: {  	_ =	shalt  }
0x63: {  	_ =	shalt  }
0x64: {  	_ =	shalt  }
0x65: {  	_ =	shalt  }
0x66: {  	_ =	shalt  }
0x67: {  	_ =	shalt  }
0x68: {  	_ =	shalt  }
0x69: {  	_ =	shalt  }
0x6a: {  	_ =	shalt  }
0x6b: {  	_ =	shalt  }
0x6c: {  	_ =	shalt  }
0x6d: {  	_ =	shalt  }
0x6e: {  	_ =	shalt  }
0x6f: {  	_ =	shalt  }
0x70: {  	_ =	shalt  }
0x71: {  	_ =	shalt  }
0x72: {  	_ =	shalt  }
0x73: {  	_ =	shalt  }
0x74: {  	_ =	shalt  }
0x75: {  	_ =	shalt  }
0x76: {  	_ =	shalt  }
0x77: {  	_ =	shalt  }
0x78: {  	_ =	shalt  }
0x79: {  	_ =	shalt  }
0x7a: {  	_ =	shalt  }
0x7b: {  	_ =	shalt  }
0x7c: {  	_ =	shalt  }
0x7d: {  	_ =	shalt  }
0x7e: {  	_ =	shalt  }
0x7f: {  	_ =	shalt  }
0x80: {  	_ =	shalt  }
0x81: {  	_ =	shalt  }
0x82: {  	_ =	shalt  }
0x83: {  	_ =	shalt  }
0x84: {  	_ =	shalt  }
0x85: {  	_ =	shalt  }
0x86: {  	_ =	shalt  }
0x87: {  	_ =	shalt  }
.Lfunc_end0:
.L_simem_size_0:
called_computation.1_lowered:
.L_overlay_start_0:
0x88: {  	s2 =	sld [smem:$0x3FD9]  }
0x89: {  	s3 =	sld [smem:$0x3FFE];
	_ =	sdelay $0x1  }
0x8a: {  	s1 =	srdreg.scid  }
0x8b: {  	s0 =	sand.u32 $0x1, s1  }
0x8c: {  	s14 =	sshll.u32 s0, $0xA;
	s2 =	sadd.s32 s3, s2  }
0x8d: {  	s2 =	sadd.s32 s2, s14  }
0x8e: {  	[smem:$0x3FB4] =	sst s2  }
0x8f: {  	_ = 	snop  }
0x90: {  	s2 =	sld [smem:$0x3FD0];
	_ =	sdelay $0x2  }
0x91: {  	s15 =	simm.s32 $0xA;
	s4 =	simm.s32 $0x10  }
0x92: {  	[smem:s4], [sflag:s15] =	dma.local [hbm:s2], $0x1  }
0x93: {  	_ =	swait.eq [sflag:s15], $0x1  }
0x94: {  	[sflag:s15] =	ssyncset.done $0x0  }
0x95: {  	[sflag:s15] =	ssyncadd.s32 $0xFFFFFFFF  }
0x96: {  	s16 =	sld [smem:$0x11];
	(tm) =	ssettm $0x1  }
0x97: {  	s17 =	sld [smem:$0x3FFB];
	_ =	sdelay $0x3  }
0x98: {  	_ =	strace s17  }
0x99: {  	s3 =	sld [smem:$0x3FFC];
	_ =	sdelay $0x3  }
0x9a: {  	_ =	strace s3  }
0x9b: {  	s3 =	sld [smem:$0x3FFD];
	_ =	sdelay $0x3  }
0x9c: {  	_ =	strace s3  }
0x9d: {  	_ =	strace $0x8FFFFFFF  }
0x9e: {  	s18 =	sld [smem:$0x3FDB];
	_ =	sdelay $0x1  }
0x9f: {  	s19 =	simm.s32 $_scs_section_size  }
0xa0: {  	s5 =	simm.s32 $_size__tile_overlayer_lowered;
	s6 =	simm.s32 $_tile_overlayer_lowered  }
0xa1: {  	s22 =	simm.s32 $0x1BFF;
	s21 =	sshll.u32 s6, $0x1;
	s3 =	sadd.s32 s19, s18  }
0xa2: {  	s7 =	simm.s32 $0x0;
	s20 =	sshll.u32 s5, $0x1;
	s5 =	sadd.s32 s21, s3  }
0xa3: {  	[timem:s7], [sflag:s22] =	dma.local [hbm:s5], s20  }
0xa4: {  	_ =	swait.ge [sflag:s22], s20  }
0xa5: {  	s4 =	ssub.s32 $0x0, s20;
	[sflag:s22] =	ssyncset.done $0x0  }
0xa6: {  	[sflag:s22] =	ssyncadd.s32 s4;
	_ =	sdelay $0x1  }
0xa7: {  	s23 =	simm.s32 $0x1B8B  }
0xa8: {  	_ =	swait.ge [sflag:s23], $0x1  }
0xa9: {  	[sflag:s23] =	ssyncset.done $0x0  }
0xaa: {  	s25 =	simm.s32 $0x1B8E;
	s24 =	sld [smem:$0x3FFE];
	[sflag:s23] =	ssyncadd.s32 $0xFFFFFFFF  }
0xab: {  	s26 =	simm.s32 $execute0_lowered;
	[smem:$0x3FD2] =	sst s25  }
0xac: {  	s5 =	sshll.u32 s26, $0x1;
	_ =	strace $0x80000049;
	[dreg:$0x1] =	wrdreg $0xFFFFFFFF  }
0xad: {  	s28 =	simm.s32 $_size_execute0_lowered;
	s3 =	sadd.s32 s3, s5;
	[dreg:$0x0] =	wrdreg $0x0  }
0xae: {  	s5 =	sshll.u32 s28, $0x1;
	[dreg:$0x2] =	wrdreg s3  }
0xaf: {  	[dreg:$0x3] =	wrdreg s5  }
0xb0: {  	[dreg:$0x4] =	wrdreg $0xC0  }
0xb1: {  	_ =	task [dreg:s7], $0x5FFFF  }
0xb2: {  	[dreg:$0x1] =	wrdreg $0xFFFFFFFF  }
0xb3: {  	[dreg:$0x0] =	wrdreg $0x60  }
0xb4: {  	[dreg:$0x2] =	wrdreg s24  }
0xb5: {  	[dreg:$0x3] =	wrdreg s16  }
0xb6: {  	[dreg:$0x4] =	wrdreg $0x0  }
0xb7: {  	[dreg:$0x5] =	wrdreg $0x9  }
0xb8: {  	_ =	task.clear_ibuf [dreg:s7], $0x6FFFF;
	_ =	strace $0x90000049  }
0xb9: {  	s29 =	simm.s32 $0x9;
	_ =	strace $0x8000004B  }
0xba: {  	_ =	swait.ge [sflag:s29], $0x1  }
0xbb: {  	[sflag:s29] =	ssyncadd.s32 $0xFFFFFFFF  }
0xbc: {  	_ =	strace $0x9000004B  }
0xbd: {  	_ =	sfence  }
0xbe: {  	s30 =	sld [smem:$0x0];
	_ =	sdelay $0x2  }
0xbf: {  	s31 =	sshll.u32 s1, $0xD;
	s1 =	sshrl.u32 s1, $0x2  }
0xc0: {  	s3 =	sand.u32 $0x4000, s31;
	s1 =	sadd.s32 s1, s30  }
0xc1: {  	s0 =	sor.u32 s3, s0;
	s1 =	sshll.u32 s1, $0x11  }
0xc2: {  	s0 =	sor.u32 s1, s0  }
0xc3: {  	s0 =	sadd.s32 $0x8F2B, s0  }
0xc4: {  	[sflag:s0] =	ssyncadd.remote.s32 $0x1  }
0xc5: {  	_ =	sfence.sel $0xFFFF  }
0xc6: {  	[dreg:$0x0] =	wrdreg $0xFFFFFFFF;
	(pc) =	sbr.abs _section_cstart, $3  }
0xc7: {  	[dreg:$0x1] =	wrdreg $0xFFFFFFFF  }
0xc8: {  	_ =	task.clear_ibuf [dreg:s7], $0x2FFFF;
	_ =	strace $0x9FFFFFFF  }
0xc9: {  	(tm) =	ssettm $0x7FFFFFFF  }
tec
execute0_lowered:
.L_overlay_start_1:
0x0: {  	(tag) =	ssettag $0x1  }
0x1: {  	s4 =	rddreg [dreg:$0x0]  }
0x2: {  	s10 =	rddreg [dreg:$0x1]  }
0x3: {  	s2 =	rddreg [dreg:$0x2]  }
0x4: {  	s0 =	rddreg [dreg:$0x3]  }
0x5: {  	s1 =	stileid.u32;
	s6 =	srdreg.scid;
	s3 =	simm.s32 $0x0  }
0x6: {  	s15 =	simm.s32 $0x1B2A8;
	s16 =	simm.s32 $0x1CE50;
	s5 =	smul.u32 $0x6B6C0, s1  }
0x7: {  	s17 =	simm.s32 $0x1;
	s18 =	simm.s32 $0x28;
	s7 =	smul.u32 $0x1B280, s1  }
0x8: {  	s19 =	simm.s32 $0x2;
	s6 =	sand.u32 $0x1, s6;
	s12 =	smul.u32 $0x4E20, s1  }
0x9: {  	s20 =	simm.s32 $0x0;
	[smem:$0x7FF] =	sst s3;
	s8 =	smul.u32 $0x1B2800, s6  }
0xa: {  	s28 =	sshll.u32 s1, $0x6;
	_ =	strace $0x8000004A;
	s26 =	smul.u32 $0x2710, s6  }
0xb: {  	s11 =	ssub.s32 $0x2, s6;
	s14 =	smul.u32 $0x35B60, s6;
	s9 =	sadd.s32 s5, s4  }
0xc: {  	s24 =	sshrl.u32 s7, $0x3;
	s25 =	sshrl.u32 s11, $0x1;
	s13 =	sadd.s32 s7, s2  }
0xd: {  	s8 =	sadd.s32 s7, s8;
	s5 =	sadd.s32 s24, s4;
	s11 =	ssub.s32 s11, s25  }
0xe: {  	s12 =	sadd.s32 s26, s12;
	s29 =	sadd.s32 s14, s9;
	s14 =	simm.s32 $0x1B2D0  }
0xf: {  	s8 =	sshrl.u32 s8, $0x3;
	s7 =	smax.u32 s11, $0x1;
	s30 =	sadd.s32 $0x28, s12  }
0x10: {  	s31 =	sshrl.u32 s12, $0x3;
	s11 =	sshrl.u32 s13, $0x3;
	s12 =	simm.s32 $0x3  }
0x11: {  	s13 =	simm.s32 $0x1B280;
	s8 =	sadd.s32 s8, s4;
	s4 =	sadd.s32 $0x6BD400, s5  }
0x12: {  	s5 =	sor.u32 $0x1C03, s28;
	s9 =	sshrl.u32 s30, $0x3;
	s6 =	sadd.s32 $0x6F3A00, s8  }
0x13: {  	s8 =	sadd.s32 $0x6B70, s29;
	s9 =	sadd.s32 s9, s10;
	s10 =	sadd.s32 s31, s10  }
.LBB2_1:
0x14: {  	[spmem:s11], [sflag:s5] =	dma.local [hbm:s4], $0x3650  }
0x15: {  	_ =	swait.ge [sflag:s12], $0x3650  }
0x16: {  	[sflag:s12] =	ssyncset.done $0x0  }
0x17: {  	[sflag:s12] =	ssyncadd.s32 $0xFFFFC9B0  }
0x18: {  	s21 =	sadd.s32 $0x0, s10;
	[bflag:$0x0] =	sbarrier.arrive $0xFFFF  }
0x19: {  	[tilespmem:s13], [sflag:$0x1] =	stream.linear.gather [hbm4b:s21+s3], $0x28, $0x38;
	[tilespmem:$0x1E9D0] =	vst v63  }
0x1a: {  	s30 =	sadd.s32 $0xFFFFFC90, s8  }
0x1b: {  	[tilespmem:s14], [sflag:$0x1] =	stream.linear.gather [hbm4b:s30+s3], $0x1B80, $0x38;
	[tilespmem:$0x1E9D0] =	vst v63  }
0x1c: {  	s31 =	sadd.s32 $0x0, s9  }
0x1d: {  	[tilespmem:s15], [sflag:$0x2] =	stream.linear.gather [hbm4b:s31+s3], $0x28, $0x38;
	[tilespmem:$0x1E9D0] =	vst v63  }
0x1e: {  	_ = 	snop  }
0x1f: {  	[tilespmem:s16], [sflag:$0x2] =	stream.linear.gather [hbm4b:s8+s3], $0x1B80, $0x38;
	[tilespmem:$0x1E9D0] =	vst v63  }
0x20: {  	_ =	swait.ge [sflag:s17], $0x28  }
0x21: {  	[sflag:s17] =	ssyncset.done $0x0  }
0x22: {  	[sflag:s17] =	ssyncadd.s32 $0xFFFFFFD8  }
0x23: {  	_ =	swait.ge [sflag:s17], $0x1B80  }
0x24: {  	[sflag:s17] =	ssyncset.done $0x0  }
0x25: {  	[sflag:s17] =	ssyncadd.s32 $0xFFFFE480  }
0x26: {  	[spmem:s2] =	stream.indirect.scatter.add.f32 [tilespmem:s14], [sflag:$0x3], $0xB0, s13, s18, $0xb8;
	[tilespmem:$0x1E9D0] =	vst v63  }
0x27: {  	_ =	swait.ge [sflag:s12], $0x1B80  }
0x28: {  	[sflag:s12] =	ssyncset.done $0x0  }
0x29: {  	[sflag:s12] =	ssyncadd.s32 $0xFFFFE480  }
0x2a: {  	_ =	swait.ge [sflag:s19], $0x28  }
0x2b: {  	[sflag:s19] =	ssyncset.done $0x0  }
0x2c: {  	[sflag:s19] =	ssyncadd.s32 $0xFFFFFFD8  }
0x2d: {  	_ =	swait.ge [sflag:s19], $0x1B80  }
0x2e: {  	[sflag:s19] =	ssyncset.done $0x0  }
0x2f: {  	[sflag:s19] =	ssyncadd.s32 $0xFFFFE480  }
0x30: {  	[spmem:s2] =	stream.indirect.scatter.add.f32 [tilespmem:s16], [sflag:$0x3], $0xB0, s15, s18, $0xb8;
	[tilespmem:$0x1E9D0] =	vst v63  }
0x31: {  	s23 =	simm.s32 $0x14;
	_ =	swait.ge [sflag:s12], $0x1B80  }
0x32: {  	s22 =	sadd.s32 $0x6E0, s8;
	s21 =	simm.s32 $0xA;
	[sflag:s12] =	ssyncset.done $0x0  }
.LBB2_2:
0x33: {  	s24 =	sadd.s32 s21, s10  }
0x34: {  	[sflag:s12] =	ssyncadd.s32 $0xFFFFE480;
	s25 =	smov.u32 s23;
	s26 =	sadd.s32 $0xA, s23  }
0x35: {  	[tilespmem:s13], [sflag:$0x1] =	stream.linear.gather [hbm4b:s24+s3], $0x28, $0x38;
	[tilespmem:$0x1E9D0] =	vst v63  }
0x36: {  	p0 =	sne.s32 s23, $0x4D8;
	s23 =	sadd.s32 $0xFFFFFC90, s22  }
0x37: {  	[tilespmem:s14], [sflag:$0x1] =	stream.linear.gather [hbm4b:s23+s3], $0x1B80, $0x38;
	[tilespmem:$0x1E9D0] =	vst v63  }
0x38: {  	s23 =	sadd.s32 s21, s9;
	s21 =	smov.u32 s25  }
0x39: {  	[tilespmem:s15], [sflag:$0x2] =	stream.linear.gather [hbm4b:s23+s3], $0x28, $0x38;
	[tilespmem:$0x1E9D0] =	vst v63  }
0x3a: {  	_ = 	snop  }
0x3b: {  	[tilespmem:s16], [sflag:$0x2] =	stream.linear.gather [hbm4b:s22+s3], $0x1B80, $0x38;
	[tilespmem:$0x1E9D0] =	vst v63  }
0x3c: {  	_ =	swait.ge [sflag:s17], $0x28  }
0x3d: {  	[sflag:s17] =	ssyncset.done $0x0  }
0x3e: {  	[sflag:s17] =	ssyncadd.s32 $0xFFFFFFD8  }
0x3f: {  	_ =	swait.ge [sflag:s17], $0x1B80  }
0x40: {  	[sflag:s17] =	ssyncset.done $0x0  }
0x41: {  	[sflag:s17] =	ssyncadd.s32 $0xFFFFE480  }
0x42: {  	[spmem:s2] =	stream.indirect.scatter.add.f32 [tilespmem:s14], [sflag:$0x3], $0xB0, s13, s18, $0xb8;
	[tilespmem:$0x1E9D0] =	vst v63  }
0x43: {  	_ =	swait.ge [sflag:s12], $0x1B80  }
0x44: {  	[sflag:s12] =	ssyncset.done $0x0  }
0x45: {  	[sflag:s12] =	ssyncadd.s32 $0xFFFFE480  }
0x46: {  	_ =	swait.ge [sflag:s19], $0x28  }
0x47: {  	[sflag:s19] =	ssyncset.done $0x0  }
0x48: {  	[sflag:s19] =	ssyncadd.s32 $0xFFFFFFD8  }
0x49: {  	_ =	swait.ge [sflag:s19], $0x1B80  }
.Ltmp0:
0x4a: {  	[sflag:s19] =	ssyncset.done $0x0;
	(pc) =	sbr.rel @p0 .LBB2_2-.Ltmp0, $4  }
0x4b: {  	[sflag:s19] =	ssyncadd.s32 $0xFFFFE480  }
0x4c: {  	[spmem:s2] =	stream.indirect.scatter.add.f32 [tilespmem:s16], [sflag:$0x3], $0xB0, s15, s18, $0xb8;
	[tilespmem:$0x1E9D0] =	vst v63  }
0x4d: {  	_ =	swait.ge [sflag:s12], $0x1B80  }
0x4e: {  	s23 =	smov.u32 s26;
	s22 =	sadd.s32 $0x6E0, s22;
	[sflag:s12] =	ssyncset.done $0x0  }
0x4f: {  	s23 =	sadd.s32 s21, s10;
	[sflag:s12] =	ssyncadd.s32 $0xFFFFE480  }
0x50: {  	[tilespmem:s13], [sflag:$0x1] =	stream.linear.gather [hbm4b:s23+s3], $0x28, $0x38;
	[tilespmem:$0x1E9D0] =	vst v63  }
0x51: {  	s30 =	sadd.s32 $0xFFFFFC90, s22  }
0x52: {  	[tilespmem:s14], [sflag:$0x1] =	stream.linear.gather [hbm4b:s30+s3], $0x1B80, $0x38;
	[tilespmem:$0x1E9D0] =	vst v63  }
0x53: {  	s31 =	sadd.s32 s21, s9  }
0x54: {  	[tilespmem:s15], [sflag:$0x2] =	stream.linear.gather [hbm4b:s31+s3], $0x28, $0x38;
	[tilespmem:$0x1E9D0] =	vst v63  }
0x55: {  	_ = 	snop  }
0x56: {  	[tilespmem:s16], [sflag:$0x2] =	stream.linear.gather [hbm4b:s22+s3], $0x1B80, $0x38;
	[tilespmem:$0x1E9D0] =	vst v63  }
0x57: {  	_ =	swait.ge [sflag:s17], $0x28  }
0x58: {  	[sflag:s17] =	ssyncset.done $0x0  }
0x59: {  	[sflag:s17] =	ssyncadd.s32 $0xFFFFFFD8  }
0x5a: {  	_ =	swait.ge [sflag:s17], $0x1B80  }
0x5b: {  	[sflag:s17] =	ssyncset.done $0x0  }
0x5c: {  	[sflag:s17] =	ssyncadd.s32 $0xFFFFE480  }
0x5d: {  	[spmem:s2] =	stream.indirect.scatter.add.f32 [tilespmem:s14], [sflag:$0x3], $0xB0, s13, s18, $0xb8;
	[tilespmem:$0x1E9D0] =	vst v63  }
0x5e: {  	_ =	swait.ge [sflag:s12], $0x1B80  }
0x5f: {  	[sflag:s12] =	ssyncset.done $0x0  }
0x60: {  	[sflag:s12] =	ssyncadd.s32 $0xFFFFE480  }
0x61: {  	_ =	swait.ge [sflag:s19], $0x28  }
0x62: {  	[sflag:s19] =	ssyncset.done $0x0  }
0x63: {  	[sflag:s19] =	ssyncadd.s32 $0xFFFFFFD8  }
0x64: {  	_ =	swait.ge [sflag:s19], $0x1B80  }
0x65: {  	[sflag:s19] =	ssyncset.done $0x0  }
0x66: {  	[sflag:s19] =	ssyncadd.s32 $0xFFFFE480  }
0x67: {  	[spmem:s2] =	stream.indirect.scatter.add.f32 [tilespmem:s16], [sflag:$0x3], $0xB0, s15, s18, $0xb8;
	[tilespmem:$0x1E9D0] =	vst v63  }
0x68: {  	_ =	swait.ge [sflag:s12], $0x1B80  }
0x69: {  	s20 =	sadd.s32 $0x1, s20;
	[sflag:s12] =	ssyncset.done $0x0  }
0x6a: {  	p0 =	sne.s32 s20, s7;
	[sflag:s12] =	ssyncadd.s32 $0xFFFFE480  }
.Ltmp1:
0x6b: {  	[bflag:$0x0] =	sbarrier.arrive $0xFFFF;
	(pc) =	sbr.rel @p0 .LBB2_1-.Ltmp1, $4  }
0x6c: {  	[hbm:s6], [sflag:s5] =	dma.local [spmem:s11], $0x3650  }
0x6d: {  	_ =	swait.ge [sflag:s12], $0x3650  }
0x6e: {  	[sflag:s12] =	ssyncset.done $0x0  }
0x6f: {  	[sflag:s12] =	ssyncadd.s32 $0xFFFFC9B0  }
0x70: {  	_ =	sfence.sel $0x180000  }
0x71: {  	[bflag:$0x0] =	sbarrier.arrive $0xFFFF  }
0x72: {  	p0 =	sne.s32 s1, $0x0;
	_ =	strace $0x9000004A  }
0x73: {  	s0 =	sadd.s32 @!p0 $0x100000, s0;
	[bflag:$0x2] =	sbarrier.arrive $0xFFFF  }
0x74: {  	[sflag:s0] =	ssyncadd.tile.s32 @!p0 $0x1;
	_ =	shalt  }
.Lfunc_end2:
_tile_overlayer_lowered:
.L_overlay_start_2:
0x75: {  	(tag) =	ssettag $0x2  }
0x76: {  	s0 =	rddreg [dreg:$0x0];
	s2 =	stileid.u32  }
0x77: {  	s1 =	rddreg [dreg:$0x1];
	p0 =	sne.s32 s2, $0x0  }
0x78: {  	s3 =	rddreg [dreg:$0x2];
	[bflag:$0x3] =	sbarrier.arrive $0xFFFF;
	s2 =	simm.s32 @!p0 $0x1C03  }
0x79: {  	[timem:s3], [sflag:s2] =	dma.local @!p0 [hbm:s0], s1  }
0x7a: {  	s0 =	simm.s32 @!p0 $0x3  }
0x7b: {  	_ =	swait.ge @!p0 [sflag:s0], s1  }
0x7c: {  	s1 =	ssub.s32 @!p0 $0x0, s1;
	[sflag:s0] =	ssyncset.done @!p0 $0x0  }
0x7d: {  	[sflag:s0] =	ssyncadd.s32 @!p0 s1  }
0x7e: {  	[bflag:$0x3] =	sbarrier.arrive $0xFFFF  }
0x7f: {  	_ =	shalt  }

</sc_bundles>
